<compile_context>
chip_gen: v7x
topology: tpu7x:2x2x1
jax: 0.10.2.dev20260603
libtpu: 0.0.44.dev20260713+nightly
codegen_flags: <defaults>
</compile_context>

<pallas_src>
import functools

import jax
import jax.numpy as jnp
from jax import lax
from jax.experimental import pallas as pl
from jax.experimental.pallas import tpu as pltpu
from jax.experimental.pallas import tpu_sc as plsc

BATCH = 16384
D = 128

_NPIPE = 2
_PB = BATCH // _NPIPE


_NC, _NS = 2, 16
_NW = _NC * _NS
_BPW = _PB // _NW
_CH = 128
_NCHUNK = _BPW // _CH

@functools.lru_cache(maxsize=1)
def _make_sc_gather():
    mesh = plsc.VectorSubcoreMesh(
        core_axis_name="c", subcore_axis_name="s",
        num_cores=_NC, num_subcores=_NS)

    @functools.partial(
        pl.kernel,
        mesh=mesh,
        out_type=jax.ShapeDtypeStruct((_PB, 2 * D), jnp.float32),
        scratch_types=[
            pltpu.VMEM((_NCHUNK, _CH), jnp.int32),
            pltpu.VMEM((_NCHUNK, _CH), jnp.int32),
            pltpu.VMEM((_CH, D), jnp.float32),
            pltpu.VMEM((_CH, D), jnp.float32),
            pltpu.SemaphoreType.DMA,
            pltpu.SemaphoreType.DMA,
            pltpu.SemaphoreType.DMA,
            pltpu.SemaphoreType.DMA,
        ],
    )
    def _sc_gather(users_hbm, movies_hbm, eu_hbm, em_hbm, x_out,
                   uidx_v, midx_v, rows0_v, rows1_v, gs0, gs1, ss0, ss1):
        wid = lax.axis_index("s") * _NC + lax.axis_index("c")
        base = wid * _BPW
        pltpu.sync_copy(users_hbm.at[pl.ds(wid * _NCHUNK, _NCHUNK)], uidx_v)
        pltpu.sync_copy(movies_hbm.at[pl.ds(wid * _NCHUNK, _NCHUNK)], midx_v)
        chunks = (
            [(eu_hbm, uidx_v.at[j], base + j * _CH, 0)
             for j in range(_NCHUNK)]
            + [(em_hbm, midx_v.at[j], base + j * _CH, D)
               for j in range(_NCHUNK)]
        )
        bufs = (rows0_v, rows1_v)
        gsems = (gs0, gs1)
        ssems = (ss0, ss1)
        tbl0, idx0, _, _ = chunks[0]
        pend_g = pltpu.async_copy(tbl0.at[idx0], bufs[0], gsems[0])
        pend_s = [None, None]
        for k, (_, _, roff, coff) in enumerate(chunks):
            pend_g.wait()
            if k + 1 < len(chunks):
                b = (k + 1) % 2
                if pend_s[b] is not None:
                    pend_s[b].wait()
                    pend_s[b] = None
                tbl, idx, _, _ = chunks[k + 1]
                pend_g = pltpu.async_copy(tbl.at[idx], bufs[b], gsems[b])
            pend_s[k % 2] = pltpu.async_copy(
                bufs[k % 2], x_out.at[pl.ds(roff, _CH), pl.ds(coff, D)],
                ssems[k % 2])
        for s in pend_s:
            if s is not None:
                s.wait()

    return _sc_gather



_BM = 2048


def _mlp_body(x_ref, w1_ref, b1_ref, w2_ref, b2_ref, wf_ref, bf_ref, out_ref):
    xin = x_ref[...].astype(jnp.bfloat16)
    x = jnp.dot(xin, w1_ref[...], preferred_element_type=jnp.float32)
    x = jax.nn.relu(x + b1_ref[...]).astype(jnp.bfloat16)
    x = jnp.dot(x, w2_ref[...], preferred_element_type=jnp.float32)
    x = jax.nn.relu(x + b2_ref[...]).astype(jnp.bfloat16)
    x = jnp.dot(x, wf_ref[...], preferred_element_type=jnp.float32)
    out_ref[...] = jax.nn.sigmoid(x + bf_ref[...])


def _mlp_chunk0(x, w1, b1, w2, b2, wf, bf):
    h1, h2 = w2.shape
    grid = (_PB // _BM,)
    return pl.pallas_call(
        _mlp_body,
        grid=grid,
        in_specs=[
            pl.BlockSpec((_BM, 2 * D), lambda i: (i, 0)),
            pl.BlockSpec((2 * D, h1), lambda i: (0, 0)),
            pl.BlockSpec((1, h1), lambda i: (0, 0)),
            pl.BlockSpec((h1, h2), lambda i: (0, 0)),
            pl.BlockSpec((1, h2), lambda i: (0, 0)),
            pl.BlockSpec((h2, 1), lambda i: (0, 0)),
            pl.BlockSpec((1, 1), lambda i: (0, 0)),
        ],
        out_specs=pl.BlockSpec((_BM, 1), lambda i: (i, 0)),
        out_shape=jax.ShapeDtypeStruct((BATCH, 1), jnp.float32),
    )(x, w1, b1, w2, b2, wf, bf)


def _mlp_body_acc(x_ref, w1_ref, b1_ref, w2_ref, b2_ref, wf_ref, bf_ref,
                  prev_ref, out_ref):
    del prev_ref
    _mlp_body(x_ref, w1_ref, b1_ref, w2_ref, b2_ref, wf_ref, bf_ref, out_ref)


def _mlp_chunk1(x, w1, b1, w2, b2, wf, bf, prev):
    h1, h2 = w2.shape
    nb = _PB // _BM
    grid = (nb,)
    return pl.pallas_call(
        _mlp_body_acc,
        grid=grid,
        in_specs=[
            pl.BlockSpec((_BM, 2 * D), lambda i: (i, 0)),
            pl.BlockSpec((2 * D, h1), lambda i: (0, 0)),
            pl.BlockSpec((1, h1), lambda i: (0, 0)),
            pl.BlockSpec((h1, h2), lambda i: (0, 0)),
            pl.BlockSpec((1, h2), lambda i: (0, 0)),
            pl.BlockSpec((h2, 1), lambda i: (0, 0)),
            pl.BlockSpec((1, 1), lambda i: (0, 0)),
            pl.BlockSpec(memory_space=pl.ANY),
        ],
        out_specs=pl.BlockSpec((_BM, 1), lambda i: (nb + i, 0)),
        out_shape=jax.ShapeDtypeStruct((BATCH, 1), jnp.float32),
        input_output_aliases={7: 0},
    )(x, w1, b1, w2, b2, wf, bf, prev)


def kernel(users, movies, Eu, Em, W1, b1, W2, b2, Wf, bf):
    h1, h2 = W2.shape
    u2 = users.astype(jnp.int32).reshape(_NPIPE, _PB // _CH, _CH)
    m2 = movies.astype(jnp.int32).reshape(_NPIPE, _PB // _CH, _CH)
    w1c = W1.astype(jnp.bfloat16)
    b1r = b1.reshape(1, h1)
    w2c = W2.astype(jnp.bfloat16)
    b2r = b2.reshape(1, h2)
    wfc = Wf.astype(jnp.bfloat16)
    bfr = bf.reshape(1, 1)
    sc = _make_sc_gather()
    x0 = sc(u2[0], m2[0], Eu, Em)
    x1 = sc(u2[1], m2[1], Eu, Em)
    out = _mlp_chunk0(x0, w1c, b1r, w2c, b2r, wfc, bfr)
    return _mlp_chunk1(x1, w1c, b1r, w2c, b2r, wfc, bfr, out)

# --- scband reference (transcript-rebuilt; emitter-appended) ---
"""Pipeline reference for scband-embedding-net-16449724744197 (READ-ONLY COPY).

The authoritative reference and input builder live on the scoring server;
editing this copy changes nothing except your own understanding.
"""

import jax, jax.numpy as jnp
import numpy as np

N_USERS = 100000
N_MOVIES = 100000
N_FACTORS = 128
HIDDEN = [1024, 512]
BATCH = 16384


def setup_inputs(seed: int = 0) -> dict:
    key = jax.random.key(seed)
    ks = jax.random.split(key, 12)
    users = jax.random.randint(ks[0], (BATCH,), 0, N_USERS, dtype=jnp.int64 if jax.config.jax_enable_x64 else jnp.int32)
    movies = jax.random.randint(ks[1], (BATCH,), 0, N_MOVIES, dtype=jnp.int64 if jax.config.jax_enable_x64 else jnp.int32)
    # Embedding tables: uniform(-0.05, 0.05) per torch _init
    Eu = jax.random.uniform(ks[2], (N_USERS, N_FACTORS), jnp.float32, -0.05, 0.05)
    Em = jax.random.uniform(ks[3], (N_MOVIES, N_FACTORS), jnp.float32, -0.05, 0.05)
    # Linear layers (stored as [in, out]); xavier-uniform init, bias 0.01
    def xavier(k, n_in, n_out):
        bound = float(np.sqrt(6.0 / (n_in + n_out)))
        return jax.random.uniform(k, (n_in, n_out), jnp.float32, -bound, bound)
    W1 = xavier(ks[4], 2 * N_FACTORS, HIDDEN[0])
    b1 = jnp.full((HIDDEN[0],), 0.01, jnp.float32)
    W2 = xavier(ks[5], HIDDEN[0], HIDDEN[1])
    b2 = jnp.full((HIDDEN[1],), 0.01, jnp.float32)
    Wf = xavier(ks[6], HIDDEN[1], 1)
    bf = jnp.full((1,), 0.01, jnp.float32)
    return {"users": users, "movies": movies, "Eu": Eu, "Em": Em, "W1": W1, "b1": b1, "W2": W2, "b2": b2, "Wf": Wf, "bf": bf}


def reference(users, movies, Eu, Em, W1, b1, W2, b2, Wf, bf):
    # Embedding lookups (gather)
    ue = jnp.take(Eu, users, axis=0)
    me = jnp.take(Em, movies, axis=0)
    features = jnp.concatenate([ue, me], axis=1)
    # Dropout layers are identity in eval/inference mode
    x = features
    x = jax.nn.relu(x @ W1 + b1)
    x = jax.nn.relu(x @ W2 + b2)
    out = jax.nn.sigmoid(x @ Wf + bf)
    return out

if __name__ == "__main__":
    import jax
    _d = setup_inputs()
    print(jax.jit(kernel)(*tuple(_d.values())))

</pallas_src>

<mosaic_0001>
#map = affine_map<(d0, d1) -> (0, 0)>
module attributes {stable_mosaic.version = 14 : i64} {
  func.func @_sc_gather(%arg0: i32, %arg1: i32, %arg2: memref<64x128xi32, #tpu.memory_space<hbm>>, %arg3: memref<64x128xi32, #tpu.memory_space<hbm>>, %arg4: memref<100000x128xf32, #tpu.memory_space<hbm>>, %arg5: memref<100000x128xf32, #tpu.memory_space<hbm>>, %arg6: memref<8192x256xf32, #tpu.memory_space<hbm>>, %arg7: memref<2x128xi32, #tpu.memory_space<vmem>>, %arg8: memref<2x128xi32, #tpu.memory_space<vmem>>, %arg9: memref<128x128xf32, #tpu.memory_space<vmem>>, %arg10: memref<128x128xf32, #tpu.memory_space<vmem>>, %arg11: memref<!tpu.dma_semaphore, #tpu.memory_space<semaphore_mem>>, %arg12: memref<!tpu.dma_semaphore, #tpu.memory_space<semaphore_mem>>, %arg13: memref<!tpu.dma_semaphore, #tpu.memory_space<semaphore_mem>>, %arg14: memref<!tpu.dma_semaphore, #tpu.memory_space<semaphore_mem>>) attributes {dimension_semantics = [#tpu.dimension_semantics<core_parallel>, #tpu.dimension_semantics<subcore_parallel>], iteration_bounds = array<i64: 2, 16>, scalar_prefetch = 0 : i64, scratch_operands = 8 : i64, tpu.core_type = #tpu.core_type<sc_vector_subcore>, window_params = [{transform_indices = #map}, {transform_indices = #map}, {transform_indices = #map}, {transform_indices = #map}, {transform_indices = #map}]} {
    %mul3A = arith.constant 2 : i32
    %mul3A_0 = arith.muli %arg1, %mul3A : i32
    %add3A = arith.addi %mul3A_0, %arg0 : i32
    %mul3A_1 = arith.constant 256 : i32
    %mul3A_2 = arith.muli %add3A, %mul3A_1 : i32
    %mul3A_3 = arith.constant 2 : i32
    %mul3A_4 = arith.muli %add3A, %mul3A_3 : i32
    "tpu.region"() ({
      %run_scoped3A = tpu.sem_alloc : memref<!tpu.dma_semaphore, #tpu.memory_space<semaphore_mem>>
      %dma_start3A_101 = arith.constant 0 : i32
      %dma_start3A_102 = tpu.memref_slice %arg2[%mul3A_4, %dma_start3A_101] : memref<64x128xi32, #tpu.memory_space<hbm>> -> memref<2x128xi32, #tpu.memory_space<hbm>>
      %dma_start3A_103 = arith.constant 0 : i32
      %dma_start3A_104 = tpu.memref_slice %arg2[%mul3A_4, %dma_start3A_103] : memref<64x128xi32, #tpu.memory_space<hbm>> -> memref<2x128xi32, #tpu.memory_space<hbm>>
      tpu.enqueue_dma source(%dma_start3A_104 : memref<2x128xi32, #tpu.memory_space<hbm>>) target(%arg7 : memref<2x128xi32, #tpu.memory_space<vmem>>) target_semaphore(%run_scoped3A : memref<!tpu.dma_semaphore, #tpu.memory_space<semaphore_mem>>)
      %dma_wait3A_105 = arith.constant 0 : i32
      %dma_wait3A_106 = tpu.memref_slice %arg2[%mul3A_4, %dma_wait3A_105] : memref<64x128xi32, #tpu.memory_space<hbm>> -> memref<2x128xi32, #tpu.memory_space<hbm>>
      %dma_wait3A_107 = arith.constant 0 : i32
      %dma_wait3A_108 = tpu.memref_slice %arg2[%mul3A_4, %dma_wait3A_107] : memref<64x128xi32, #tpu.memory_space<hbm>> -> memref<2x128xi32, #tpu.memory_space<hbm>>
      tpu.wait_dma2 semaphore(%run_scoped3A : memref<!tpu.dma_semaphore, #tpu.memory_space<semaphore_mem>>) src(%dma_wait3A_108 : memref<2x128xi32, #tpu.memory_space<hbm>>) dst(%arg7 : memref<2x128xi32, #tpu.memory_space<vmem>>)
      tpu.yield
    }) : () -> ()
    %mul3A_5 = arith.constant 2 : i32
    %mul3A_6 = arith.muli %add3A, %mul3A_5 : i32
    "tpu.region"() ({
      %run_scoped3A = tpu.sem_alloc : memref<!tpu.dma_semaphore, #tpu.memory_space<semaphore_mem>>
      %dma_start3A_101 = arith.constant 0 : i32
      %dma_start3A_102 = tpu.memref_slice %arg3[%mul3A_6, %dma_start3A_101] : memref<64x128xi32, #tpu.memory_space<hbm>> -> memref<2x128xi32, #tpu.memory_space<hbm>>
      %dma_start3A_103 = arith.constant 0 : i32
      %dma_start3A_104 = tpu.memref_slice %arg3[%mul3A_6, %dma_start3A_103] : memref<64x128xi32, #tpu.memory_space<hbm>> -> memref<2x128xi32, #tpu.memory_space<hbm>>
      tpu.enqueue_dma source(%dma_start3A_104 : memref<2x128xi32, #tpu.memory_space<hbm>>) target(%arg8 : memref<2x128xi32, #tpu.memory_space<vmem>>) target_semaphore(%run_scoped3A : memref<!tpu.dma_semaphore, #tpu.memory_space<semaphore_mem>>)
      %dma_wait3A_105 = arith.constant 0 : i32
      %dma_wait3A_106 = tpu.memref_slice %arg3[%mul3A_6, %dma_wait3A_105] : memref<64x128xi32, #tpu.memory_space<hbm>> -> memref<2x128xi32, #tpu.memory_space<hbm>>
      %dma_wait3A_107 = arith.constant 0 : i32
      %dma_wait3A_108 = tpu.memref_slice %arg3[%mul3A_6, %dma_wait3A_107] : memref<64x128xi32, #tpu.memory_space<hbm>> -> memref<2x128xi32, #tpu.memory_space<hbm>>
      tpu.wait_dma2 semaphore(%run_scoped3A : memref<!tpu.dma_semaphore, #tpu.memory_space<semaphore_mem>>) src(%dma_wait3A_108 : memref<2x128xi32, #tpu.memory_space<hbm>>) dst(%arg8 : memref<2x128xi32, #tpu.memory_space<vmem>>)
      tpu.yield
    }) : () -> ()
    %add3A_7 = arith.constant 0 : i32
    %add3A_8 = arith.addi %mul3A_2, %add3A_7 : i32
    %add3A_9 = arith.constant 128 : i32
    %add3A_10 = arith.addi %mul3A_2, %add3A_9 : i32
    %add3A_11 = arith.constant 0 : i32
    %add3A_12 = arith.addi %mul3A_2, %add3A_11 : i32
    %add3A_13 = arith.constant 128 : i32
    %add3A_14 = arith.addi %mul3A_2, %add3A_13 : i32
    %dma_start3A = arith.constant 0 : i32
    %dma_start3A_15 = arith.constant 0 : i32
    %dma_start3A_16 = tpu.memref_slice %arg7[%dma_start3A, %dma_start3A_15] : memref<2x128xi32, #tpu.memory_space<vmem>> -> memref<1x128xi32, #tpu.memory_space<vmem>>
    %dma_start3A_17 = tpu.memref_squeeze %dma_start3A_16 : memref<1x128xi32, #tpu.memory_space<vmem>> -> memref<128xi32, #tpu.memory_space<vmem>>
    %dma_start3A_18 = arith.constant 0 : i32
    %dma_start3A_19 = arith.constant 0 : i32
    %dma_start3A_20 = tpu.memref_slice %arg4[%dma_start3A_18, %dma_start3A_19] : memref<100000x128xf32, #tpu.memory_space<hbm>> -> memref<100000x128xf32, #tpu.memory_space<hbm>>
    tpu.enqueue_indirect_dma source(%dma_start3A_20 : memref<100000x128xf32, #tpu.memory_space<hbm>>) target(%arg9 : memref<128x128xf32, #tpu.memory_space<vmem>>) offsets(%dma_start3A_17 : memref<128xi32, #tpu.memory_space<vmem>>) semaphore(%arg11 : memref<!tpu.dma_semaphore, #tpu.memory_space<semaphore_mem>>)
    %dma_wait3A = arith.constant 0 : i32
    %dma_wait3A_21 = arith.constant 0 : i32
    %dma_wait3A_22 = tpu.memref_slice %arg7[%dma_wait3A, %dma_wait3A_21] : memref<2x128xi32, #tpu.memory_space<vmem>> -> memref<1x128xi32, #tpu.memory_space<vmem>>
    %dma_wait3A_23 = tpu.memref_squeeze %dma_wait3A_22 : memref<1x128xi32, #tpu.memory_space<vmem>> -> memref<128xi32, #tpu.memory_space<vmem>>
    %dma_wait3A_24 = arith.constant 0 : i32
    %dma_wait3A_25 = arith.constant 0 : i32
    %dma_wait3A_26 = tpu.memref_slice %arg4[%dma_wait3A_24, %dma_wait3A_25] : memref<100000x128xf32, #tpu.memory_space<hbm>> -> memref<100000x128xf32, #tpu.memory_space<hbm>>
    tpu.wait_indirect_dma semaphore(%arg11 : memref<!tpu.dma_semaphore, #tpu.memory_space<semaphore_mem>>) src(%dma_wait3A_26 : memref<100000x128xf32, #tpu.memory_space<hbm>>) dst(%arg9 : memref<128x128xf32, #tpu.memory_space<vmem>>)
    %dma_start3A_27 = arith.constant 1 : i32
    %dma_start3A_28 = arith.constant 0 : i32
    %dma_start3A_29 = tpu.memref_slice %arg7[%dma_start3A_27, %dma_start3A_28] : memref<2x128xi32, #tpu.memory_space<vmem>> -> memref<1x128xi32, #tpu.memory_space<vmem>>
    %dma_start3A_30 = tpu.memref_squeeze %dma_start3A_29 : memref<1x128xi32, #tpu.memory_space<vmem>> -> memref<128xi32, #tpu.memory_space<vmem>>
    %dma_start3A_31 = arith.constant 0 : i32
    %dma_start3A_32 = arith.constant 0 : i32
    %dma_start3A_33 = tpu.memref_slice %arg4[%dma_start3A_31, %dma_start3A_32] : memref<100000x128xf32, #tpu.memory_space<hbm>> -> memref<100000x128xf32, #tpu.memory_space<hbm>>
    tpu.enqueue_indirect_dma source(%dma_start3A_33 : memref<100000x128xf32, #tpu.memory_space<hbm>>) target(%arg10 : memref<128x128xf32, #tpu.memory_space<vmem>>) offsets(%dma_start3A_30 : memref<128xi32, #tpu.memory_space<vmem>>) semaphore(%arg12 : memref<!tpu.dma_semaphore, #tpu.memory_space<semaphore_mem>>)
    %dma_start3A_34 = arith.constant 0 : i32
    %dma_start3A_35 = tpu.memref_slice %arg6[%add3A_8, %dma_start3A_34] : memref<8192x256xf32, #tpu.memory_space<hbm>> -> memref<128x128xf32, #tpu.memory_space<hbm>>
    %dma_start3A_36 = arith.constant 0 : i32
    %dma_start3A_37 = tpu.memref_slice %arg6[%add3A_8, %dma_start3A_36] : memref<8192x256xf32, #tpu.memory_space<hbm>> -> memref<128x128xf32, #tpu.memory_space<hbm>>
    tpu.enqueue_dma source(%arg9 : memref<128x128xf32, #tpu.memory_space<vmem>>) target(%dma_start3A_37 : memref<128x128xf32, #tpu.memory_space<hbm>>) target_semaphore(%arg13 : memref<!tpu.dma_semaphore, #tpu.memory_space<semaphore_mem>>)
    %dma_wait3A_38 = arith.constant 1 : i32
    %dma_wait3A_39 = arith.constant 0 : i32
    %dma_wait3A_40 = tpu.memref_slice %arg7[%dma_wait3A_38, %dma_wait3A_39] : memref<2x128xi32, #tpu.memory_space<vmem>> -> memref<1x128xi32, #tpu.memory_space<vmem>>
    %dma_wait3A_41 = tpu.memref_squeeze %dma_wait3A_40 : memref<1x128xi32, #tpu.memory_space<vmem>> -> memref<128xi32, #tpu.memory_space<vmem>>
    %dma_wait3A_42 = arith.constant 0 : i32
    %dma_wait3A_43 = arith.constant 0 : i32
    %dma_wait3A_44 = tpu.memref_slice %arg4[%dma_wait3A_42, %dma_wait3A_43] : memref<100000x128xf32, #tpu.memory_space<hbm>> -> memref<100000x128xf32, #tpu.memory_space<hbm>>
    tpu.wait_indirect_dma semaphore(%arg12 : memref<!tpu.dma_semaphore, #tpu.memory_space<semaphore_mem>>) src(%dma_wait3A_44 : memref<100000x128xf32, #tpu.memory_space<hbm>>) dst(%arg10 : memref<128x128xf32, #tpu.memory_space<vmem>>)
    %dma_wait3A_45 = arith.constant 0 : i32
    %dma_wait3A_46 = tpu.memref_slice %arg6[%add3A_8, %dma_wait3A_45] : memref<8192x256xf32, #tpu.memory_space<hbm>> -> memref<128x128xf32, #tpu.memory_space<hbm>>
    %dma_wait3A_47 = arith.constant 0 : i32
    %dma_wait3A_48 = tpu.memref_slice %arg6[%add3A_8, %dma_wait3A_47] : memref<8192x256xf32, #tpu.memory_space<hbm>> -> memref<128x128xf32, #tpu.memory_space<hbm>>
    tpu.wait_dma2 semaphore(%arg13 : memref<!tpu.dma_semaphore, #tpu.memory_space<semaphore_mem>>) src(%arg9 : memref<128x128xf32, #tpu.memory_space<vmem>>) dst(%dma_wait3A_48 : memref<128x128xf32, #tpu.memory_space<hbm>>)
    %dma_start3A_49 = arith.constant 0 : i32
    %dma_start3A_50 = arith.constant 0 : i32
    %dma_start3A_51 = tpu.memref_slice %arg8[%dma_start3A_49, %dma_start3A_50] : memref<2x128xi32, #tpu.memory_space<vmem>> -> memref<1x128xi32, #tpu.memory_space<vmem>>
    %dma_start3A_52 = tpu.memref_squeeze %dma_start3A_51 : memref<1x128xi32, #tpu.memory_space<vmem>> -> memref<128xi32, #tpu.memory_space<vmem>>
    %dma_start3A_53 = arith.constant 0 : i32
    %dma_start3A_54 = arith.constant 0 : i32
    %dma_start3A_55 = tpu.memref_slice %arg5[%dma_start3A_53, %dma_start3A_54] : memref<100000x128xf32, #tpu.memory_space<hbm>> -> memref<100000x128xf32, #tpu.memory_space<hbm>>
    tpu.enqueue_indirect_dma source(%dma_start3A_55 : memref<100000x128xf32, #tpu.memory_space<hbm>>) target(%arg9 : memref<128x128xf32, #tpu.memory_space<vmem>>) offsets(%dma_start3A_52 : memref<128xi32, #tpu.memory_space<vmem>>) semaphore(%arg11 : memref<!tpu.dma_semaphore, #tpu.memory_space<semaphore_mem>>)
    %dma_start3A_56 = arith.constant 0 : i32
    %dma_start3A_57 = tpu.memref_slice %arg6[%add3A_10, %dma_start3A_56] : memref<8192x256xf32, #tpu.memory_space<hbm>> -> memref<128x128xf32, #tpu.memory_space<hbm>>
    %dma_start3A_58 = arith.constant 0 : i32
    %dma_start3A_59 = tpu.memref_slice %arg6[%add3A_10, %dma_start3A_58] : memref<8192x256xf32, #tpu.memory_space<hbm>> -> memref<128x128xf32, #tpu.memory_space<hbm>>
    tpu.enqueue_dma source(%arg10 : memref<128x128xf32, #tpu.memory_space<vmem>>) target(%dma_start3A_59 : memref<128x128xf32, #tpu.memory_space<hbm>>) target_semaphore(%arg14 : memref<!tpu.dma_semaphore, #tpu.memory_space<semaphore_mem>>)
    %dma_wait3A_60 = arith.constant 0 : i32
    %dma_wait3A_61 = arith.constant 0 : i32
    %dma_wait3A_62 = tpu.memref_slice %arg8[%dma_wait3A_60, %dma_wait3A_61] : memref<2x128xi32, #tpu.memory_space<vmem>> -> memref<1x128xi32, #tpu.memory_space<vmem>>
    %dma_wait3A_63 = tpu.memref_squeeze %dma_wait3A_62 : memref<1x128xi32, #tpu.memory_space<vmem>> -> memref<128xi32, #tpu.memory_space<vmem>>
    %dma_wait3A_64 = arith.constant 0 : i32
    %dma_wait3A_65 = arith.constant 0 : i32
    %dma_wait3A_66 = tpu.memref_slice %arg5[%dma_wait3A_64, %dma_wait3A_65] : memref<100000x128xf32, #tpu.memory_space<hbm>> -> memref<100000x128xf32, #tpu.memory_space<hbm>>
    tpu.wait_indirect_dma semaphore(%arg11 : memref<!tpu.dma_semaphore, #tpu.memory_space<semaphore_mem>>) src(%dma_wait3A_66 : memref<100000x128xf32, #tpu.memory_space<hbm>>) dst(%arg9 : memref<128x128xf32, #tpu.memory_space<vmem>>)
    %dma_wait3A_67 = arith.constant 0 : i32
    %dma_wait3A_68 = tpu.memref_slice %arg6[%add3A_10, %dma_wait3A_67] : memref<8192x256xf32, #tpu.memory_space<hbm>> -> memref<128x128xf32, #tpu.memory_space<hbm>>
    %dma_wait3A_69 = arith.constant 0 : i32
    %dma_wait3A_70 = tpu.memref_slice %arg6[%add3A_10, %dma_wait3A_69] : memref<8192x256xf32, #tpu.memory_space<hbm>> -> memref<128x128xf32, #tpu.memory_space<hbm>>
    tpu.wait_dma2 semaphore(%arg14 : memref<!tpu.dma_semaphore, #tpu.memory_space<semaphore_mem>>) src(%arg10 : memref<128x128xf32, #tpu.memory_space<vmem>>) dst(%dma_wait3A_70 : memref<128x128xf32, #tpu.memory_space<hbm>>)
    %dma_start3A_71 = arith.constant 1 : i32
    %dma_start3A_72 = arith.constant 0 : i32
    %dma_start3A_73 = tpu.memref_slice %arg8[%dma_start3A_71, %dma_start3A_72] : memref<2x128xi32, #tpu.memory_space<vmem>> -> memref<1x128xi32, #tpu.memory_space<vmem>>
    %dma_start3A_74 = tpu.memref_squeeze %dma_start3A_73 : memref<1x128xi32, #tpu.memory_space<vmem>> -> memref<128xi32, #tpu.memory_space<vmem>>
    %dma_start3A_75 = arith.constant 0 : i32
    %dma_start3A_76 = arith.constant 0 : i32
    %dma_start3A_77 = tpu.memref_slice %arg5[%dma_start3A_75, %dma_start3A_76] : memref<100000x128xf32, #tpu.memory_space<hbm>> -> memref<100000x128xf32, #tpu.memory_space<hbm>>
    tpu.enqueue_indirect_dma source(%dma_start3A_77 : memref<100000x128xf32, #tpu.memory_space<hbm>>) target(%arg10 : memref<128x128xf32, #tpu.memory_space<vmem>>) offsets(%dma_start3A_74 : memref<128xi32, #tpu.memory_space<vmem>>) semaphore(%arg12 : memref<!tpu.dma_semaphore, #tpu.memory_space<semaphore_mem>>)
    %dma_start3A_78 = arith.constant 128 : i32
    %dma_start3A_79 = tpu.memref_slice %arg6[%add3A_12, %dma_start3A_78] : memref<8192x256xf32, #tpu.memory_space<hbm>> -> memref<128x128xf32, #tpu.memory_space<hbm>>
    %dma_start3A_80 = arith.constant 128 : i32
    %dma_start3A_81 = tpu.memref_slice %arg6[%add3A_12, %dma_start3A_80] : memref<8192x256xf32, #tpu.memory_space<hbm>> -> memref<128x128xf32, #tpu.memory_space<hbm>>
    tpu.enqueue_dma source(%arg9 : memref<128x128xf32, #tpu.memory_space<vmem>>) target(%dma_start3A_81 : memref<128x128xf32, #tpu.memory_space<hbm>>) target_semaphore(%arg13 : memref<!tpu.dma_semaphore, #tpu.memory_space<semaphore_mem>>)
    %dma_wait3A_82 = arith.constant 1 : i32
    %dma_wait3A_83 = arith.constant 0 : i32
    %dma_wait3A_84 = tpu.memref_slice %arg8[%dma_wait3A_82, %dma_wait3A_83] : memref<2x128xi32, #tpu.memory_space<vmem>> -> memref<1x128xi32, #tpu.memory_space<vmem>>
    %dma_wait3A_85 = tpu.memref_squeeze %dma_wait3A_84 : memref<1x128xi32, #tpu.memory_space<vmem>> -> memref<128xi32, #tpu.memory_space<vmem>>
    %dma_wait3A_86 = arith.constant 0 : i32
    %dma_wait3A_87 = arith.constant 0 : i32
    %dma_wait3A_88 = tpu.memref_slice %arg5[%dma_wait3A_86, %dma_wait3A_87] : memref<100000x128xf32, #tpu.memory_space<hbm>> -> memref<100000x128xf32, #tpu.memory_space<hbm>>
    tpu.wait_indirect_dma semaphore(%arg12 : memref<!tpu.dma_semaphore, #tpu.memory_space<semaphore_mem>>) src(%dma_wait3A_88 : memref<100000x128xf32, #tpu.memory_space<hbm>>) dst(%arg10 : memref<128x128xf32, #tpu.memory_space<vmem>>)
    %dma_start3A_89 = arith.constant 128 : i32
    %dma_start3A_90 = tpu.memref_slice %arg6[%add3A_14, %dma_start3A_89] : memref<8192x256xf32, #tpu.memory_space<hbm>> -> memref<128x128xf32, #tpu.memory_space<hbm>>
    %dma_start3A_91 = arith.constant 128 : i32
    %dma_start3A_92 = tpu.memref_slice %arg6[%add3A_14, %dma_start3A_91] : memref<8192x256xf32, #tpu.memory_space<hbm>> -> memref<128x128xf32, #tpu.memory_space<hbm>>
    tpu.enqueue_dma source(%arg10 : memref<128x128xf32, #tpu.memory_space<vmem>>) target(%dma_start3A_92 : memref<128x128xf32, #tpu.memory_space<hbm>>) target_semaphore(%arg14 : memref<!tpu.dma_semaphore, #tpu.memory_space<semaphore_mem>>)
    %dma_wait3A_93 = arith.constant 128 : i32
    %dma_wait3A_94 = tpu.memref_slice %arg6[%add3A_12, %dma_wait3A_93] : memref<8192x256xf32, #tpu.memory_space<hbm>> -> memref<128x128xf32, #tpu.memory_space<hbm>>
    %dma_wait3A_95 = arith.constant 128 : i32
    %dma_wait3A_96 = tpu.memref_slice %arg6[%add3A_12, %dma_wait3A_95] : memref<8192x256xf32, #tpu.memory_space<hbm>> -> memref<128x128xf32, #tpu.memory_space<hbm>>
    tpu.wait_dma2 semaphore(%arg13 : memref<!tpu.dma_semaphore, #tpu.memory_space<semaphore_mem>>) src(%arg9 : memref<128x128xf32, #tpu.memory_space<vmem>>) dst(%dma_wait3A_96 : memref<128x128xf32, #tpu.memory_space<hbm>>)
    %dma_wait3A_97 = arith.constant 128 : i32
    %dma_wait3A_98 = tpu.memref_slice %arg6[%add3A_14, %dma_wait3A_97] : memref<8192x256xf32, #tpu.memory_space<hbm>> -> memref<128x128xf32, #tpu.memory_space<hbm>>
    %dma_wait3A_99 = arith.constant 128 : i32
    %dma_wait3A_100 = tpu.memref_slice %arg6[%add3A_14, %dma_wait3A_99] : memref<8192x256xf32, #tpu.memory_space<hbm>> -> memref<128x128xf32, #tpu.memory_space<hbm>>
    tpu.wait_dma2 semaphore(%arg14 : memref<!tpu.dma_semaphore, #tpu.memory_space<semaphore_mem>>) src(%arg10 : memref<128x128xf32, #tpu.memory_space<vmem>>) dst(%dma_wait3A_100 : memref<128x128xf32, #tpu.memory_space<hbm>>)
    return
  }
}

#map = affine_map<(d0, d1) -> (0, 0)>
module attributes {stable_mosaic.version = 14 : i64} {
  func.func @_sc_gather(%arg0: i32, %arg1: i32, %arg2: memref<64x128xi32, #tpu.memory_space<hbm>>, %arg3: memref<64x128xi32, #tpu.memory_space<hbm>>, %arg4: memref<100000x128xf32, #tpu.memory_space<hbm>>, %arg5: memref<100000x128xf32, #tpu.memory_space<hbm>>, %arg6: memref<8192x256xf32, #tpu.memory_space<hbm>>, %arg7: memref<2x128xi32, #tpu.memory_space<vmem>>, %arg8: memref<2x128xi32, #tpu.memory_space<vmem>>, %arg9: memref<128x128xf32, #tpu.memory_space<vmem>>, %arg10: memref<128x128xf32, #tpu.memory_space<vmem>>, %arg11: memref<!tpu.dma_semaphore, #tpu.memory_space<semaphore_mem>>, %arg12: memref<!tpu.dma_semaphore, #tpu.memory_space<semaphore_mem>>, %arg13: memref<!tpu.dma_semaphore, #tpu.memory_space<semaphore_mem>>, %arg14: memref<!tpu.dma_semaphore, #tpu.memory_space<semaphore_mem>>) attributes {dimension_semantics = [#tpu.dimension_semantics<core_parallel>, #tpu.dimension_semantics<subcore_parallel>], iteration_bounds = array<i64: 2, 16>, scalar_prefetch = 0 : i64, scratch_operands = 8 : i64, tpu.core_type = #tpu.core_type<sc_vector_subcore>, window_params = [{transform_indices = #map}, {transform_indices = #map}, {transform_indices = #map}, {transform_indices = #map}, {transform_indices = #map}]} {
    %mul3A = arith.constant 2 : i32
    %mul3A_0 = arith.muli %arg1, %mul3A : i32
    %add3A = arith.addi %mul3A_0, %arg0 : i32
    %mul3A_1 = arith.constant 256 : i32
    %mul3A_2 = arith.muli %add3A, %mul3A_1 : i32
    %mul3A_3 = arith.constant 2 : i32
    %mul3A_4 = arith.muli %add3A, %mul3A_3 : i32
    "tpu.region"() ({
      %run_scoped3A = tpu.sem_alloc : memref<!tpu.dma_semaphore, #tpu.memory_space<semaphore_mem>>
      %dma_start3A_101 = arith.constant 0 : i32
      %dma_start3A_102 = tpu.memref_slice %arg2[%mul3A_4, %dma_start3A_101] : memref<64x128xi32, #tpu.memory_space<hbm>> -> memref<2x128xi32, #tpu.memory_space<hbm>>
      %dma_start3A_103 = arith.constant 0 : i32
      %dma_start3A_104 = tpu.memref_slice %arg2[%mul3A_4, %dma_start3A_103] : memref<64x128xi32, #tpu.memory_space<hbm>> -> memref<2x128xi32, #tpu.memory_space<hbm>>
      tpu.enqueue_dma source(%dma_start3A_104 : memref<2x128xi32, #tpu.memory_space<hbm>>) target(%arg7 : memref<2x128xi32, #tpu.memory_space<vmem>>) target_semaphore(%run_scoped3A : memref<!tpu.dma_semaphore, #tpu.memory_space<semaphore_mem>>)
      %dma_wait3A_105 = arith.constant 0 : i32
      %dma_wait3A_106 = tpu.memref_slice %arg2[%mul3A_4, %dma_wait3A_105] : memref<64x128xi32, #tpu.memory_space<hbm>> -> memref<2x128xi32, #tpu.memory_space<hbm>>
      %dma_wait3A_107 = arith.constant 0 : i32
      %dma_wait3A_108 = tpu.memref_slice %arg2[%mul3A_4, %dma_wait3A_107] : memref<64x128xi32, #tpu.memory_space<hbm>> -> memref<2x128xi32, #tpu.memory_space<hbm>>
      tpu.wait_dma2 semaphore(%run_scoped3A : memref<!tpu.dma_semaphore, #tpu.memory_space<semaphore_mem>>) src(%dma_wait3A_108 : memref<2x128xi32, #tpu.memory_space<hbm>>) dst(%arg7 : memref<2x128xi32, #tpu.memory_space<vmem>>)
      tpu.yield
    }) : () -> ()
    %mul3A_5 = arith.constant 2 : i32
    %mul3A_6 = arith.muli %add3A, %mul3A_5 : i32
    "tpu.region"() ({
      %run_scoped3A = tpu.sem_alloc : memref<!tpu.dma_semaphore, #tpu.memory_space<semaphore_mem>>
      %dma_start3A_101 = arith.constant 0 : i32
      %dma_start3A_102 = tpu.memref_slice %arg3[%mul3A_6, %dma_start3A_101] : memref<64x128xi32, #tpu.memory_space<hbm>> -> memref<2x128xi32, #tpu.memory_space<hbm>>
      %dma_start3A_103 = arith.constant 0 : i32
      %dma_start3A_104 = tpu.memref_slice %arg3[%mul3A_6, %dma_start3A_103] : memref<64x128xi32, #tpu.memory_space<hbm>> -> memref<2x128xi32, #tpu.memory_space<hbm>>
      tpu.enqueue_dma source(%dma_start3A_104 : memref<2x128xi32, #tpu.memory_space<hbm>>) target(%arg8 : memref<2x128xi32, #tpu.memory_space<vmem>>) target_semaphore(%run_scoped3A : memref<!tpu.dma_semaphore, #tpu.memory_space<semaphore_mem>>)
      %dma_wait3A_105 = arith.constant 0 : i32
      %dma_wait3A_106 = tpu.memref_slice %arg3[%mul3A_6, %dma_wait3A_105] : memref<64x128xi32, #tpu.memory_space<hbm>> -> memref<2x128xi32, #tpu.memory_space<hbm>>
      %dma_wait3A_107 = arith.constant 0 : i32
      %dma_wait3A_108 = tpu.memref_slice %arg3[%mul3A_6, %dma_wait3A_107] : memref<64x128xi32, #tpu.memory_space<hbm>> -> memref<2x128xi32, #tpu.memory_space<hbm>>
      tpu.wait_dma2 semaphore(%run_scoped3A : memref<!tpu.dma_semaphore, #tpu.memory_space<semaphore_mem>>) src(%dma_wait3A_108 : memref<2x128xi32, #tpu.memory_space<hbm>>) dst(%arg8 : memref<2x128xi32, #tpu.memory_space<vmem>>)
      tpu.yield
    }) : () -> ()
    %add3A_7 = arith.constant 0 : i32
    %add3A_8 = arith.addi %mul3A_2, %add3A_7 : i32
    %add3A_9 = arith.constant 128 : i32
    %add3A_10 = arith.addi %mul3A_2, %add3A_9 : i32
    %add3A_11 = arith.constant 0 : i32
    %add3A_12 = arith.addi %mul3A_2, %add3A_11 : i32
    %add3A_13 = arith.constant 128 : i32
    %add3A_14 = arith.addi %mul3A_2, %add3A_13 : i32
    %dma_start3A = arith.constant 0 : i32
    %dma_start3A_15 = arith.constant 0 : i32
    %dma_start3A_16 = tpu.memref_slice %arg7[%dma_start3A, %dma_start3A_15] : memref<2x128xi32, #tpu.memory_space<vmem>> -> memref<1x128xi32, #tpu.memory_space<vmem>>
    %dma_start3A_17 = tpu.memref_squeeze %dma_start3A_16 : memref<1x128xi32, #tpu.memory_space<vmem>> -> memref<128xi32, #tpu.memory_space<vmem>>
    %dma_start3A_18 = arith.constant 0 : i32
    %dma_start3A_19 = arith.constant 0 : i32
    %dma_start3A_20 = tpu.memref_slice %arg4[%dma_start3A_18, %dma_start3A_19] : memref<100000x128xf32, #tpu.memory_space<hbm>> -> memref<100000x128xf32, #tpu.memory_space<hbm>>
    tpu.enqueue_indirect_dma source(%dma_start3A_20 : memref<100000x128xf32, #tpu.memory_space<hbm>>) target(%arg9 : memref<128x128xf32, #tpu.memory_space<vmem>>) offsets(%dma_start3A_17 : memref<128xi32, #tpu.memory_space<vmem>>) semaphore(%arg11 : memref<!tpu.dma_semaphore, #tpu.memory_space<semaphore_mem>>)
    %dma_wait3A = arith.constant 0 : i32
    %dma_wait3A_21 = arith.constant 0 : i32
    %dma_wait3A_22 = tpu.memref_slice %arg7[%dma_wait3A, %dma_wait3A_21] : memref<2x128xi32, #tpu.memory_space<vmem>> -> memref<1x128xi32, #tpu.memory_space<vmem>>
    %dma_wait3A_23 = tpu.memref_squeeze %dma_wait3A_22 : memref<1x128xi32, #tpu.memory_space<vmem>> -> memref<128xi32, #tpu.memory_space<vmem>>
    %dma_wait3A_24 = arith.constant 0 : i32
    %dma_wait3A_25 = arith.constant 0 : i32
    %dma_wait3A_26 = tpu.memref_slice %arg4[%dma_wait3A_24, %dma_wait3A_25] : memref<100000x128xf32, #tpu.memory_space<hbm>> -> memref<100000x128xf32, #tpu.memory_space<hbm>>
    tpu.wait_indirect_dma semaphore(%arg11 : memref<!tpu.dma_semaphore, #tpu.memory_space<semaphore_mem>>) src(%dma_wait3A_26 : memref<100000x128xf32, #tpu.memory_space<hbm>>) dst(%arg9 : memref<128x128xf32, #tpu.memory_space<vmem>>)
    %dma_start3A_27 = arith.constant 1 : i32
    %dma_start3A_28 = arith.constant 0 : i32
    %dma_start3A_29 = tpu.memref_slice %arg7[%dma_start3A_27, %dma_start3A_28] : memref<2x128xi32, #tpu.memory_space<vmem>> -> memref<1x128xi32, #tpu.memory_space<vmem>>
    %dma_start3A_30 = tpu.memref_squeeze %dma_start3A_29 : memref<1x128xi32, #tpu.memory_space<vmem>> -> memref<128xi32, #tpu.memory_space<vmem>>
    %dma_start3A_31 = arith.constant 0 : i32
    %dma_start3A_32 = arith.constant 0 : i32
    %dma_start3A_33 = tpu.memref_slice %arg4[%dma_start3A_31, %dma_start3A_32] : memref<100000x128xf32, #tpu.memory_space<hbm>> -> memref<100000x128xf32, #tpu.memory_space<hbm>>
    tpu.enqueue_indirect_dma source(%dma_start3A_33 : memref<100000x128xf32, #tpu.memory_space<hbm>>) target(%arg10 : memref<128x128xf32, #tpu.memory_space<vmem>>) offsets(%dma_start3A_30 : memref<128xi32, #tpu.memory_space<vmem>>) semaphore(%arg12 : memref<!tpu.dma_semaphore, #tpu.memory_space<semaphore_mem>>)
    %dma_start3A_34 = arith.constant 0 : i32
    %dma_start3A_35 = tpu.memref_slice %arg6[%add3A_8, %dma_start3A_34] : memref<8192x256xf32, #tpu.memory_space<hbm>> -> memref<128x128xf32, #tpu.memory_space<hbm>>
    %dma_start3A_36 = arith.constant 0 : i32
    %dma_start3A_37 = tpu.memref_slice %arg6[%add3A_8, %dma_start3A_36] : memref<8192x256xf32, #tpu.memory_space<hbm>> -> memref<128x128xf32, #tpu.memory_space<hbm>>
    tpu.enqueue_dma source(%arg9 : memref<128x128xf32, #tpu.memory_space<vmem>>) target(%dma_start3A_37 : memref<128x128xf32, #tpu.memory_space<hbm>>) target_semaphore(%arg13 : memref<!tpu.dma_semaphore, #tpu.memory_space<semaphore_mem>>)
    %dma_wait3A_38 = arith.constant 1 : i32
    %dma_wait3A_39 = arith.constant 0 : i32
    %dma_wait3A_40 = tpu.memref_slice %arg7[%dma_wait3A_38, %dma_wait3A_39] : memref<2x128xi32, #tpu.memory_space<vmem>> -> memref<1x128xi32, #tpu.memory_space<vmem>>
    %dma_wait3A_41 = tpu.memref_squeeze %dma_wait3A_40 : memref<1x128xi32, #tpu.memory_space<vmem>> -> memref<128xi32, #tpu.memory_space<vmem>>
    %dma_wait3A_42 = arith.constant 0 : i32
    %dma_wait3A_43 = arith.constant 0 : i32
    %dma_wait3A_44 = tpu.memref_slice %arg4[%dma_wait3A_42, %dma_wait3A_43] : memref<100000x128xf32, #tpu.memory_space<hbm>> -> memref<100000x128xf32, #tpu.memory_space<hbm>>
    tpu.wait_indirect_dma semaphore(%arg12 : memref<!tpu.dma_semaphore, #tpu.memory_space<semaphore_mem>>) src(%dma_wait3A_44 : memref<100000x128xf32, #tpu.memory_space<hbm>>) dst(%arg10 : memref<128x128xf32, #tpu.memory_space<vmem>>)
    %dma_wait3A_45 = arith.constant 0 : i32
    %dma_wait3A_46 = tpu.memref_slice %arg6[%add3A_8, %dma_wait3A_45] : memref<8192x256xf32, #tpu.memory_space<hbm>> -> memref<128x128xf32, #tpu.memory_space<hbm>>
    %dma_wait3A_47 = arith.constant 0 : i32
    %dma_wait3A_48 = tpu.memref_slice %arg6[%add3A_8, %dma_wait3A_47] : memref<8192x256xf32, #tpu.memory_space<hbm>> -> memref<128x128xf32, #tpu.memory_space<hbm>>
    tpu.wait_dma2 semaphore(%arg13 : memref<!tpu.dma_semaphore, #tpu.memory_space<semaphore_mem>>) src(%arg9 : memref<128x128xf32, #tpu.memory_space<vmem>>) dst(%dma_wait3A_48 : memref<128x128xf32, #tpu.memory_space<hbm>>)
    %dma_start3A_49 = arith.constant 0 : i32
    %dma_start3A_50 = arith.constant 0 : i32
    %dma_start3A_51 = tpu.memref_slice %arg8[%dma_start3A_49, %dma_start3A_50] : memref<2x128xi32, #tpu.memory_space<vmem>> -> memref<1x128xi32, #tpu.memory_space<vmem>>
    %dma_start3A_52 = tpu.memref_squeeze %dma_start3A_51 : memref<1x128xi32, #tpu.memory_space<vmem>> -> memref<128xi32, #tpu.memory_space<vmem>>
    %dma_start3A_53 = arith.constant 0 : i32
    %dma_start3A_54 = arith.constant 0 : i32
    %dma_start3A_55 = tpu.memref_slice %arg5[%dma_start3A_53, %dma_start3A_54] : memref<100000x128xf32, #tpu.memory_space<hbm>> -> memref<100000x128xf32, #tpu.memory_space<hbm>>
    tpu.enqueue_indirect_dma source(%dma_start3A_55 : memref<100000x128xf32, #tpu.memory_space<hbm>>) target(%arg9 : memref<128x128xf32, #tpu.memory_space<vmem>>) offsets(%dma_start3A_52 : memref<128xi32, #tpu.memory_space<vmem>>) semaphore(%arg11 : memref<!tpu.dma_semaphore, #tpu.memory_space<semaphore_mem>>)
    %dma_start3A_56 = arith.constant 0 : i32
    %dma_start3A_57 = tpu.memref_slice %arg6[%add3A_10, %dma_start3A_56] : memref<8192x256xf32, #tpu.memory_space<hbm>> -> memref<128x128xf32, #tpu.memory_space<hbm>>
    %dma_start3A_58 = arith.constant 0 : i32
    %dma_start3A_59 = tpu.memref_slice %arg6[%add3A_10, %dma_start3A_58] : memref<8192x256xf32, #tpu.memory_space<hbm>> -> memref<128x128xf32, #tpu.memory_space<hbm>>
    tpu.enqueue_dma source(%arg10 : memref<128x128xf32, #tpu.memory_space<vmem>>) target(%dma_start3A_59 : memref<128x128xf32, #tpu.memory_space<hbm>>) target_semaphore(%arg14 : memref<!tpu.dma_semaphore, #tpu.memory_space<semaphore_mem>>)
    %dma_wait3A_60 = arith.constant 0 : i32
    %dma_wait3A_61 = arith.constant 0 : i32
    %dma_wait3A_62 = tpu.memref_slice %arg8[%dma_wait3A_60, %dma_wait3A_61] : memref<2x128xi32, #tpu.memory_space<vmem>> -> memref<1x128xi32, #tpu.memory_space<vmem>>
    %dma_wait3A_63 = tpu.memref_squeeze %dma_wait3A_62 : memref<1x128xi32, #tpu.memory_space<vmem>> -> memref<128xi32, #tpu.memory_space<vmem>>
    %dma_wait3A_64 = arith.constant 0 : i32
    %dma_wait3A_65 = arith.constant 0 : i32
    %dma_wait3A_66 = tpu.memref_slice %arg5[%dma_wait3A_64, %dma_wait3A_65] : memref<100000x128xf32, #tpu.memory_space<hbm>> -> memref<100000x128xf32, #tpu.memory_space<hbm>>
    tpu.wait_indirect_dma semaphore(%arg11 : memref<!tpu.dma_semaphore, #tpu.memory_space<semaphore_mem>>) src(%dma_wait3A_66 : memref<100000x128xf32, #tpu.memory_space<hbm>>) dst(%arg9 : memref<128x128xf32, #tpu.memory_space<vmem>>)
    %dma_wait3A_67 = arith.constant 0 : i32
    %dma_wait3A_68 = tpu.memref_slice %arg6[%add3A_10, %dma_wait3A_67] : memref<8192x256xf32, #tpu.memory_space<hbm>> -> memref<128x128xf32, #tpu.memory_space<hbm>>
    %dma_wait3A_69 = arith.constant 0 : i32
    %dma_wait3A_70 = tpu.memref_slice %arg6[%add3A_10, %dma_wait3A_69] : memref<8192x256xf32, #tpu.memory_space<hbm>> -> memref<128x128xf32, #tpu.memory_space<hbm>>
    tpu.wait_dma2 semaphore(%arg14 : memref<!tpu.dma_semaphore, #tpu.memory_space<semaphore_mem>>) src(%arg10 : memref<128x128xf32, #tpu.memory_space<vmem>>) dst(%dma_wait3A_70 : memref<128x128xf32, #tpu.memory_space<hbm>>)
    %dma_start3A_71 = arith.constant 1 : i32
    %dma_start3A_72 = arith.constant 0 : i32
    %dma_start3A_73 = tpu.memref_slice %arg8[%dma_start3A_71, %dma_start3A_72] : memref<2x128xi32, #tpu.memory_space<vmem>> -> memref<1x128xi32, #tpu.memory_space<vmem>>
    %dma_start3A_74 = tpu.memref_squeeze %dma_start3A_73 : memref<1x128xi32, #tpu.memory_space<vmem>> -> memref<128xi32, #tpu.memory_space<vmem>>
    %dma_start3A_75 = arith.constant 0 : i32
    %dma_start3A_76 = arith.constant 0 : i32
    %dma_start3A_77 = tpu.memref_slice %arg5[%dma_start3A_75, %dma_start3A_76] : memref<100000x128xf32, #tpu.memory_space<hbm>> -> memref<100000x128xf32, #tpu.memory_space<hbm>>
    tpu.enqueue_indirect_dma source(%dma_start3A_77 : memref<100000x128xf32, #tpu.memory_space<hbm>>) target(%arg10 : memref<128x128xf32, #tpu.memory_space<vmem>>) offsets(%dma_start3A_74 : memref<128xi32, #tpu.memory_space<vmem>>) semaphore(%arg12 : memref<!tpu.dma_semaphore, #tpu.memory_space<semaphore_mem>>)
    %dma_start3A_78 = arith.constant 128 : i32
    %dma_start3A_79 = tpu.memref_slice %arg6[%add3A_12, %dma_start3A_78] : memref<8192x256xf32, #tpu.memory_space<hbm>> -> memref<128x128xf32, #tpu.memory_space<hbm>>
    %dma_start3A_80 = arith.constant 128 : i32
    %dma_start3A_81 = tpu.memref_slice %arg6[%add3A_12, %dma_start3A_80] : memref<8192x256xf32, #tpu.memory_space<hbm>> -> memref<128x128xf32, #tpu.memory_space<hbm>>
    tpu.enqueue_dma source(%arg9 : memref<128x128xf32, #tpu.memory_space<vmem>>) target(%dma_start3A_81 : memref<128x128xf32, #tpu.memory_space<hbm>>) target_semaphore(%arg13 : memref<!tpu.dma_semaphore, #tpu.memory_space<semaphore_mem>>)
    %dma_wait3A_82 = arith.constant 1 : i32
    %dma_wait3A_83 = arith.constant 0 : i32
    %dma_wait3A_84 = tpu.memref_slice %arg8[%dma_wait3A_82, %dma_wait3A_83] : memref<2x128xi32, #tpu.memory_space<vmem>> -> memref<1x128xi32, #tpu.memory_space<vmem>>
    %dma_wait3A_85 = tpu.memref_squeeze %dma_wait3A_84 : memref<1x128xi32, #tpu.memory_space<vmem>> -> memref<128xi32, #tpu.memory_space<vmem>>
    %dma_wait3A_86 = arith.constant 0 : i32
    %dma_wait3A_87 = arith.constant 0 : i32
    %dma_wait3A_88 = tpu.memref_slice %arg5[%dma_wait3A_86, %dma_wait3A_87] : memref<100000x128xf32, #tpu.memory_space<hbm>> -> memref<100000x128xf32, #tpu.memory_space<hbm>>
    tpu.wait_indirect_dma semaphore(%arg12 : memref<!tpu.dma_semaphore, #tpu.memory_space<semaphore_mem>>) src(%dma_wait3A_88 : memref<100000x128xf32, #tpu.memory_space<hbm>>) dst(%arg10 : memref<128x128xf32, #tpu.memory_space<vmem>>)
    %dma_start3A_89 = arith.constant 128 : i32
    %dma_start3A_90 = tpu.memref_slice %arg6[%add3A_14, %dma_start3A_89] : memref<8192x256xf32, #tpu.memory_space<hbm>> -> memref<128x128xf32, #tpu.memory_space<hbm>>
    %dma_start3A_91 = arith.constant 128 : i32
    %dma_start3A_92 = tpu.memref_slice %arg6[%add3A_14, %dma_start3A_91] : memref<8192x256xf32, #tpu.memory_space<hbm>> -> memref<128x128xf32, #tpu.memory_space<hbm>>
    tpu.enqueue_dma source(%arg10 : memref<128x128xf32, #tpu.memory_space<vmem>>) target(%dma_start3A_92 : memref<128x128xf32, #tpu.memory_space<hbm>>) target_semaphore(%arg14 : memref<!tpu.dma_semaphore, #tpu.memory_space<semaphore_mem>>)
    %dma_wait3A_93 = arith.constant 128 : i32
    %dma_wait3A_94 = tpu.memref_slice %arg6[%add3A_12, %dma_wait3A_93] : memref<8192x256xf32, #tpu.memory_space<hbm>> -> memref<128x128xf32, #tpu.memory_space<hbm>>
    %dma_wait3A_95 = arith.constant 128 : i32
    %dma_wait3A_96 = tpu.memref_slice %arg6[%add3A_12, %dma_wait3A_95] : memref<8192x256xf32, #tpu.memory_space<hbm>> -> memref<128x128xf32, #tpu.memory_space<hbm>>
    tpu.wait_dma2 semaphore(%arg13 : memref<!tpu.dma_semaphore, #tpu.memory_space<semaphore_mem>>) src(%arg9 : memref<128x128xf32, #tpu.memory_space<vmem>>) dst(%dma_wait3A_96 : memref<128x128xf32, #tpu.memory_space<hbm>>)
    %dma_wait3A_97 = arith.constant 128 : i32
    %dma_wait3A_98 = tpu.memref_slice %arg6[%add3A_14, %dma_wait3A_97] : memref<8192x256xf32, #tpu.memory_space<hbm>> -> memref<128x128xf32, #tpu.memory_space<hbm>>
    %dma_wait3A_99 = arith.constant 128 : i32
    %dma_wait3A_100 = tpu.memref_slice %arg6[%add3A_14, %dma_wait3A_99] : memref<8192x256xf32, #tpu.memory_space<hbm>> -> memref<128x128xf32, #tpu.memory_space<hbm>>
    tpu.wait_dma2 semaphore(%arg14 : memref<!tpu.dma_semaphore, #tpu.memory_space<semaphore_mem>>) src(%arg10 : memref<128x128xf32, #tpu.memory_space<vmem>>) dst(%dma_wait3A_100 : memref<128x128xf32, #tpu.memory_space<hbm>>)
    return
  }
}

module attributes {stable_mosaic.version = 14 : i64} {
  func.func @_mlp_body(%arg0: i32, %arg1: memref<2048x256xf32, #tpu.memory_space<vmem>>, %arg2: memref<256x1024xbf16, #tpu.memory_space<vmem>>, %arg3: memref<1x1024xf32, #tpu.memory_space<vmem>>, %arg4: memref<1024x512xbf16, #tpu.memory_space<vmem>>, %arg5: memref<1x512xf32, #tpu.memory_space<vmem>>, %arg6: memref<512x1xbf16, #tpu.memory_space<vmem>>, %arg7: memref<1x1xf32, #tpu.memory_space<vmem>>, %arg8: memref<2048x1xf32, #tpu.memory_space<vmem>>) attributes {dimension_semantics = [#tpu.dimension_semantics<arbitrary>], iteration_bounds = array<i64: 4>, scalar_prefetch = 0 : i64, scratch_operands = 0 : i64, tpu.core_type = #tpu.core_type<tc>, window_params = [{transform_indices = @transform_0, window_bounds = array<i64: 2048, 256>}, {pipeline_mode = #tpu.pipeline_mode<synchronous>, transform_indices = @transform_1, window_bounds = array<i64: 256, 1024>}, {pipeline_mode = #tpu.pipeline_mode<synchronous>, transform_indices = @transform_2, window_bounds = array<i64: 1, 1024>}, {pipeline_mode = #tpu.pipeline_mode<synchronous>, transform_indices = @transform_3, window_bounds = array<i64: 1024, 512>}, {pipeline_mode = #tpu.pipeline_mode<synchronous>, transform_indices = @transform_4, window_bounds = array<i64: 1, 512>}, {pipeline_mode = #tpu.pipeline_mode<synchronous>, transform_indices = @transform_5, window_bounds = array<i64: 512, 1>}, {pipeline_mode = #tpu.pipeline_mode<synchronous>, transform_indices = @transform_6, window_bounds = array<i64: 1, 1>}, {transform_indices = @transform_7, window_bounds = array<i64: 2048, 1>}]} {
    %get3A = arith.constant 0 : index
    %get3A_0 = arith.constant 0 : index
    %get3A_1 = vector.load %arg1[%get3A, %get3A_0] : memref<2048x256xf32, #tpu.memory_space<vmem>>, vector<2048x256xf32>
    %convert_element_type3A = arith.truncf %get3A_1 : vector<2048x256xf32> to vector<2048x256xbf16>
    %get3A_2 = arith.constant 0 : index
    %get3A_3 = arith.constant 0 : index
    %get3A_4 = vector.load %arg2[%get3A_2, %get3A_3] : memref<256x1024xbf16, #tpu.memory_space<vmem>>, vector<256x1024xbf16>
    %dot_general3A = arith.constant dense<0.000000e+00> : vector<2048x1024xf32>
    %dot_general3A_5 = tpu.matmul %convert_element_type3A, %get3A_4, %dot_general3A {dimension_numbers = #tpu.dot_dimension_numbers<[1], [0], [0], [1], [0, 0, 1, 1], [], []>, transpose_lhs_hint = false} : vector<2048x256xbf16>, vector<256x1024xbf16>, vector<2048x1024xf32> -> vector<2048x1024xf32>
    %get3A_6 = arith.constant 0 : index
    %get3A_7 = arith.constant 0 : index
    %get3A_8 = vector.load %arg3[%get3A_6, %get3A_7] : memref<1x1024xf32, #tpu.memory_space<vmem>>, vector<1x1024xf32>
    %add3A = vector.broadcast %get3A_8 : vector<1x1024xf32> to vector<2048x1024xf32>
    %add3A_9 = arith.addf %dot_general3A_5, %add3A : vector<2048x1024xf32>
    %max3A = arith.constant 0.000000e+00 : f32
    %max3A_10 = vector.broadcast %max3A : f32 to vector<2048x1024xf32>
    %max3A_11 = arith.maximumf %add3A_9, %max3A_10 : vector<2048x1024xf32>
    %convert_element_type3A_12 = arith.truncf %max3A_11 : vector<2048x1024xf32> to vector<2048x1024xbf16>
    %get3A_13 = arith.constant 0 : index
    %get3A_14 = arith.constant 0 : index
    %get3A_15 = vector.load %arg4[%get3A_13, %get3A_14] : memref<1024x512xbf16, #tpu.memory_space<vmem>>, vector<1024x512xbf16>
    %dot_general3A_16 = arith.constant dense<0.000000e+00> : vector<2048x512xf32>
    %dot_general3A_17 = tpu.matmul %convert_element_type3A_12, %get3A_15, %dot_general3A_16 {dimension_numbers = #tpu.dot_dimension_numbers<[1], [0], [0], [1], [0, 0, 1, 1], [], []>, transpose_lhs_hint = false} : vector<2048x1024xbf16>, vector<1024x512xbf16>, vector<2048x512xf32> -> vector<2048x512xf32>
    %get3A_18 = arith.constant 0 : index
    %get3A_19 = arith.constant 0 : index
    %get3A_20 = vector.load %arg5[%get3A_18, %get3A_19] : memref<1x512xf32, #tpu.memory_space<vmem>>, vector<1x512xf32>
    %add3A_21 = vector.broadcast %get3A_20 : vector<1x512xf32> to vector<2048x512xf32>
    %add3A_22 = arith.addf %dot_general3A_17, %add3A_21 : vector<2048x512xf32>
    %max3A_23 = arith.constant 0.000000e+00 : f32
    %max3A_24 = vector.broadcast %max3A_23 : f32 to vector<2048x512xf32>
    %max3A_25 = arith.maximumf %add3A_22, %max3A_24 : vector<2048x512xf32>
    %convert_element_type3A_26 = arith.truncf %max3A_25 : vector<2048x512xf32> to vector<2048x512xbf16>
    %get3A_27 = arith.constant 0 : index
    %get3A_28 = arith.constant 0 : index
    %get3A_29 = vector.load %arg6[%get3A_27, %get3A_28] : memref<512x1xbf16, #tpu.memory_space<vmem>>, vector<512x1xbf16>
    %dot_general3A_30 = arith.constant dense<0.000000e+00> : vector<2048x1xf32>
    %dot_general3A_31 = tpu.matmul %convert_element_type3A_26, %get3A_29, %dot_general3A_30 {dimension_numbers = #tpu.dot_dimension_numbers<[1], [0], [0], [1], [0, 0, 1, 1], [], []>, transpose_lhs_hint = false} : vector<2048x512xbf16>, vector<512x1xbf16>, vector<2048x1xf32> -> vector<2048x1xf32>
    %get3A_32 = arith.constant 0 : index
    %get3A_33 = arith.constant 0 : index
    %get3A_34 = vector.load %arg7[%get3A_32, %get3A_33] : memref<1x1xf32, #tpu.memory_space<vmem>>, vector<1x1xf32>
    %add3A_35 = vector.broadcast %get3A_34 : vector<1x1xf32> to vector<2048x1xf32>
    %add3A_36 = arith.addf %dot_general3A_31, %add3A_35 : vector<2048x1xf32>
    %logistic3A = arith.negf %add3A_36 : vector<2048x1xf32>
    %logistic3A_37 = math.exp %logistic3A : vector<2048x1xf32>
    %logistic3A_38 = arith.constant 1.000000e+00 : f32
    %logistic3A_39 = vector.broadcast %logistic3A_38 : f32 to vector<2048x1xf32>
    %logistic3A_40 = arith.addf %logistic3A_39, %logistic3A_37 : vector<2048x1xf32>
    %logistic3A_41 = arith.divf %logistic3A_39, %logistic3A_40 : vector<2048x1xf32>
    %swap3A = arith.constant 0 : index
    %swap3A_42 = arith.constant 0 : index
    %swap3A_43 = vector.load %arg8[%swap3A, %swap3A_42] : memref<2048x1xf32, #tpu.memory_space<vmem>>, vector<2048x1xf32>
    tpu.vector_store %arg8[%swap3A, %swap3A_42], %logistic3A_41 {strides = array<i32>} : memref<2048x1xf32, #tpu.memory_space<vmem>>, vector<2048x1xf32>,
    return
  }
  func.func @transform_0(%arg0: i32) -> (i32, i32) {
    %c0_i32 = arith.constant 0 : i32
    %c0_i32_0 = arith.constant 0 : i32
    return %arg0, %c0_i32 : i32, i32
  }
  func.func @transform_1(%arg0: i32) -> (i32, i32) {
    %c0_i32 = arith.constant 0 : i32
    %c0_i32_0 = arith.constant 0 : i32
    %c0_i32_1 = arith.constant 0 : i32
    return %c0_i32, %c0_i32_0 : i32, i32
  }
  func.func @transform_2(%arg0: i32) -> (i32, i32) {
    %c0_i32 = arith.constant 0 : i32
    %c0_i32_0 = arith.constant 0 : i32
    %c0_i32_1 = arith.constant 0 : i32
    return %c0_i32, %c0_i32_0 : i32, i32
  }
  func.func @transform_3(%arg0: i32) -> (i32, i32) {
    %c0_i32 = arith.constant 0 : i32
    %c0_i32_0 = arith.constant 0 : i32
    %c0_i32_1 = arith.constant 0 : i32
    return %c0_i32, %c0_i32_0 : i32, i32
  }
  func.func @transform_4(%arg0: i32) -> (i32, i32) {
    %c0_i32 = arith.constant 0 : i32
    %c0_i32_0 = arith.constant 0 : i32
    %c0_i32_1 = arith.constant 0 : i32
    return %c0_i32, %c0_i32_0 : i32, i32
  }
  func.func @transform_5(%arg0: i32) -> (i32, i32) {
    %c0_i32 = arith.constant 0 : i32
    %c0_i32_0 = arith.constant 0 : i32
    %c0_i32_1 = arith.constant 0 : i32
    return %c0_i32, %c0_i32_0 : i32, i32
  }
  func.func @transform_6(%arg0: i32) -> (i32, i32) {
    %c0_i32 = arith.constant 0 : i32
    %c0_i32_0 = arith.constant 0 : i32
    %c0_i32_1 = arith.constant 0 : i32
    return %c0_i32, %c0_i32_0 : i32, i32
  }
  func.func @transform_7(%arg0: i32) -> (i32, i32) {
    %c0_i32 = arith.constant 0 : i32
    %c0_i32_0 = arith.constant 0 : i32
    return %arg0, %c0_i32 : i32, i32
  }
}

module attributes {stable_mosaic.version = 14 : i64} {
  func.func @_mlp_body_acc(%arg0: i32, %arg1: memref<2048x256xf32, #tpu.memory_space<vmem>>, %arg2: memref<256x1024xbf16, #tpu.memory_space<vmem>>, %arg3: memref<1x1024xf32, #tpu.memory_space<vmem>>, %arg4: memref<1024x512xbf16, #tpu.memory_space<vmem>>, %arg5: memref<1x512xf32, #tpu.memory_space<vmem>>, %arg6: memref<512x1xbf16, #tpu.memory_space<vmem>>, %arg7: memref<1x1xf32, #tpu.memory_space<vmem>>, %arg8: memref<16384x1xf32, #tpu.memory_space<any>>, %arg9: memref<2048x1xf32, #tpu.memory_space<vmem>>) attributes {dimension_semantics = [#tpu.dimension_semantics<arbitrary>], iteration_bounds = array<i64: 4>, scalar_prefetch = 0 : i64, scratch_operands = 0 : i64, tpu.core_type = #tpu.core_type<tc>, window_params = [{transform_indices = @transform_0, window_bounds = array<i64: 2048, 256>}, {pipeline_mode = #tpu.pipeline_mode<synchronous>, transform_indices = @transform_1, window_bounds = array<i64: 256, 1024>}, {pipeline_mode = #tpu.pipeline_mode<synchronous>, transform_indices = @transform_2, window_bounds = array<i64: 1, 1024>}, {pipeline_mode = #tpu.pipeline_mode<synchronous>, transform_indices = @transform_3, window_bounds = array<i64: 1024, 512>}, {pipeline_mode = #tpu.pipeline_mode<synchronous>, transform_indices = @transform_4, window_bounds = array<i64: 1, 512>}, {pipeline_mode = #tpu.pipeline_mode<synchronous>, transform_indices = @transform_5, window_bounds = array<i64: 512, 1>}, {pipeline_mode = #tpu.pipeline_mode<synchronous>, transform_indices = @transform_6, window_bounds = array<i64: 1, 1>}, {}, {transform_indices = @transform_8, window_bounds = array<i64: 2048, 1>}]} {
    %get3A = arith.constant 0 : index
    %get3A_0 = arith.constant 0 : index
    %get3A_1 = vector.load %arg1[%get3A, %get3A_0] : memref<2048x256xf32, #tpu.memory_space<vmem>>, vector<2048x256xf32>
    %convert_element_type3A = arith.truncf %get3A_1 : vector<2048x256xf32> to vector<2048x256xbf16>
    %get3A_2 = arith.constant 0 : index
    %get3A_3 = arith.constant 0 : index
    %get3A_4 = vector.load %arg2[%get3A_2, %get3A_3] : memref<256x1024xbf16, #tpu.memory_space<vmem>>, vector<256x1024xbf16>
    %dot_general3A = arith.constant dense<0.000000e+00> : vector<2048x1024xf32>
    %dot_general3A_5 = tpu.matmul %convert_element_type3A, %get3A_4, %dot_general3A {dimension_numbers = #tpu.dot_dimension_numbers<[1], [0], [0], [1], [0, 0, 1, 1], [], []>, transpose_lhs_hint = false} : vector<2048x256xbf16>, vector<256x1024xbf16>, vector<2048x1024xf32> -> vector<2048x1024xf32>
    %get3A_6 = arith.constant 0 : index
    %get3A_7 = arith.constant 0 : index
    %get3A_8 = vector.load %arg3[%get3A_6, %get3A_7] : memref<1x1024xf32, #tpu.memory_space<vmem>>, vector<1x1024xf32>
    %add3A = vector.broadcast %get3A_8 : vector<1x1024xf32> to vector<2048x1024xf32>
    %add3A_9 = arith.addf %dot_general3A_5, %add3A : vector<2048x1024xf32>
    %max3A = arith.constant 0.000000e+00 : f32
    %max3A_10 = vector.broadcast %max3A : f32 to vector<2048x1024xf32>
    %max3A_11 = arith.maximumf %add3A_9, %max3A_10 : vector<2048x1024xf32>
    %convert_element_type3A_12 = arith.truncf %max3A_11 : vector<2048x1024xf32> to vector<2048x1024xbf16>
    %get3A_13 = arith.constant 0 : index
    %get3A_14 = arith.constant 0 : index
    %get3A_15 = vector.load %arg4[%get3A_13, %get3A_14] : memref<1024x512xbf16, #tpu.memory_space<vmem>>, vector<1024x512xbf16>
    %dot_general3A_16 = arith.constant dense<0.000000e+00> : vector<2048x512xf32>
    %dot_general3A_17 = tpu.matmul %convert_element_type3A_12, %get3A_15, %dot_general3A_16 {dimension_numbers = #tpu.dot_dimension_numbers<[1], [0], [0], [1], [0, 0, 1, 1], [], []>, transpose_lhs_hint = false} : vector<2048x1024xbf16>, vector<1024x512xbf16>, vector<2048x512xf32> -> vector<2048x512xf32>
    %get3A_18 = arith.constant 0 : index
    %get3A_19 = arith.constant 0 : index
    %get3A_20 = vector.load %arg5[%get3A_18, %get3A_19] : memref<1x512xf32, #tpu.memory_space<vmem>>, vector<1x512xf32>
    %add3A_21 = vector.broadcast %get3A_20 : vector<1x512xf32> to vector<2048x512xf32>
    %add3A_22 = arith.addf %dot_general3A_17, %add3A_21 : vector<2048x512xf32>
    %max3A_23 = arith.constant 0.000000e+00 : f32
    %max3A_24 = vector.broadcast %max3A_23 : f32 to vector<2048x512xf32>
    %max3A_25 = arith.maximumf %add3A_22, %max3A_24 : vector<2048x512xf32>
    %convert_element_type3A_26 = arith.truncf %max3A_25 : vector<2048x512xf32> to vector<2048x512xbf16>
    %get3A_27 = arith.constant 0 : index
    %get3A_28 = arith.constant 0 : index
    %get3A_29 = vector.load %arg6[%get3A_27, %get3A_28] : memref<512x1xbf16, #tpu.memory_space<vmem>>, vector<512x1xbf16>
    %dot_general3A_30 = arith.constant dense<0.000000e+00> : vector<2048x1xf32>
    %dot_general3A_31 = tpu.matmul %convert_element_type3A_26, %get3A_29, %dot_general3A_30 {dimension_numbers = #tpu.dot_dimension_numbers<[1], [0], [0], [1], [0, 0, 1, 1], [], []>, transpose_lhs_hint = false} : vector<2048x512xbf16>, vector<512x1xbf16>, vector<2048x1xf32> -> vector<2048x1xf32>
    %get3A_32 = arith.constant 0 : index
    %get3A_33 = arith.constant 0 : index
    %get3A_34 = vector.load %arg7[%get3A_32, %get3A_33] : memref<1x1xf32, #tpu.memory_space<vmem>>, vector<1x1xf32>
    %add3A_35 = vector.broadcast %get3A_34 : vector<1x1xf32> to vector<2048x1xf32>
    %add3A_36 = arith.addf %dot_general3A_31, %add3A_35 : vector<2048x1xf32>
    %logistic3A = arith.negf %add3A_36 : vector<2048x1xf32>
    %logistic3A_37 = math.exp %logistic3A : vector<2048x1xf32>
    %logistic3A_38 = arith.constant 1.000000e+00 : f32
    %logistic3A_39 = vector.broadcast %logistic3A_38 : f32 to vector<2048x1xf32>
    %logistic3A_40 = arith.addf %logistic3A_39, %logistic3A_37 : vector<2048x1xf32>
    %logistic3A_41 = arith.divf %logistic3A_39, %logistic3A_40 : vector<2048x1xf32>
    %swap3A = arith.constant 0 : index
    %swap3A_42 = arith.constant 0 : index
    %swap3A_43 = vector.load %arg9[%swap3A, %swap3A_42] : memref<2048x1xf32, #tpu.memory_space<vmem>>, vector<2048x1xf32>
    tpu.vector_store %arg9[%swap3A, %swap3A_42], %logistic3A_41 {strides = array<i32>} : memref<2048x1xf32, #tpu.memory_space<vmem>>, vector<2048x1xf32>,
    return
  }
  func.func @transform_0(%arg0: i32) -> (i32, i32) {
    %c0_i32 = arith.constant 0 : i32
    %c0_i32_0 = arith.constant 0 : i32
    return %arg0, %c0_i32 : i32, i32
  }
  func.func @transform_1(%arg0: i32) -> (i32, i32) {
    %c0_i32 = arith.constant 0 : i32
    %c0_i32_0 = arith.constant 0 : i32
    %c0_i32_1 = arith.constant 0 : i32
    return %c0_i32, %c0_i32_0 : i32, i32
  }
  func.func @transform_2(%arg0: i32) -> (i32, i32) {
    %c0_i32 = arith.constant 0 : i32
    %c0_i32_0 = arith.constant 0 : i32
    %c0_i32_1 = arith.constant 0 : i32
    return %c0_i32, %c0_i32_0 : i32, i32
  }
  func.func @transform_3(%arg0: i32) -> (i32, i32) {
    %c0_i32 = arith.constant 0 : i32
    %c0_i32_0 = arith.constant 0 : i32
    %c0_i32_1 = arith.constant 0 : i32
    return %c0_i32, %c0_i32_0 : i32, i32
  }
  func.func @transform_4(%arg0: i32) -> (i32, i32) {
    %c0_i32 = arith.constant 0 : i32
    %c0_i32_0 = arith.constant 0 : i32
    %c0_i32_1 = arith.constant 0 : i32
    return %c0_i32, %c0_i32_0 : i32, i32
  }
  func.func @transform_5(%arg0: i32) -> (i32, i32) {
    %c0_i32 = arith.constant 0 : i32
    %c0_i32_0 = arith.constant 0 : i32
    %c0_i32_1 = arith.constant 0 : i32
    return %c0_i32, %c0_i32_0 : i32, i32
  }
  func.func @transform_6(%arg0: i32) -> (i32, i32) {
    %c0_i32 = arith.constant 0 : i32
    %c0_i32_0 = arith.constant 0 : i32
    %c0_i32_1 = arith.constant 0 : i32
    return %c0_i32, %c0_i32_0 : i32, i32
  }
  func.func @transform_8(%arg0: i32) -> (i32, i32) {
    %add3A = arith.constant 4 : i32
    %add3A_0 = arith.addi %add3A, %arg0 : i32
    %c0_i32 = arith.constant 0 : i32
    %c0_i32_1 = arith.constant 0 : i32
    return %add3A_0, %c0_i32 : i32, i32
  }
}

</mosaic_0001>

<sc_bundles>
// kernel: kernel.6.cloned.1.call-start
scs
__scs_entry_jumppad:
0x0: {  	(pc) =	sbr.rel $0x88, $3  }
0x1: {  	(tag) =	ssettag $0x0;
	lr =	simm.s32 $0x1  }
0x2: {  	[smem:$0x3F97] =	sst lr;
	_ =	strace $0xD0000000  }
0x3: {  	_ = 	snop  }
0x4: {  	_ = 	snop  }
0x5: {  	_ = 	snop  }
0x6: {  	_ = 	snop  }
0x7: {  	_ = 	snop  }
__scs_overlays_trampoline_lowered:
0x8: {  	[smem:$0x3FA6] =	sst s0  }
0x9: {  	[smem:$0x3FA7] =	sst s1  }
0xa: {  	[smem:$0x3FA8] =	sst s2  }
0xb: {  	[smem:$0x3FA9] =	sst s3  }
0xc: {  	[smem:$0x3FAA] =	sst s4  }
0xd: {  	[smem:$0x3FAB] =	sst s5  }
0xe: {  	[smem:$0x3FAC] =	sst s6  }
0xf: {  	[smem:$0x3FAD] =	sst s7  }
0x10: {  	[smem:$0x3FAE] =	sst s8  }
0x11: {  	[smem:$0x3FAF] =	sst s9;
	s0 =	simm.s32 @!p0 $0x0  }
0x12: {  	s1 =	sld [smem:$0x3F95];
	s0 =	simm.s32 @p0 $0x1  }
0x13: {  	[smem:$0x3FB0] =	sst s0;
	s0 =	simm.s32 @!p1 $0x0  }
0x14: {  	s2 =	sld [smem:$0x3F94];
	s0 =	simm.s32 @p1 $0x1  }
0x15: {  	[smem:$0x3FB1] =	sst s0;
	s0 =	simm.s32 @!p2 $0x0  }
0x16: {  	s3 =	sld [smem:$0x3FDB];
	s0 =	simm.s32 @p2 $0x1  }
0x17: {  	s4 =	simm.s32 $0x1BF5;
	[smem:$0x3FB3] =	sst s0  }
0x18: {  	s0 =	sld [smem:$0x3F96];
	_ =	swait.ge [sflag:s4], $0x0  }
0x19: {  	s7 =	sld [smem:$0x3F97]  }
0x1a: {  	s8 =	sadd.s32 $0xFFFFE003, lr  }
0x1b: {  	s9 =	sadd.s32 $0xFFFFFEF7, lr;
	s5 =	simm.s32 $0xFFFFFFFF;
	p2 =	slt.u32 s8, $0xFFFFF086  }
0x1c: {  	p1 =	slt.u32 s9, $0xF7A;
	s5 =	simm.s32 @!p2 $0x0  }
0x1d: {  	s5 =	simm.s32 @p1 $0x1;
	p0 =	seq.s32 s7, s2  }
0x1e: {  	s7 =	smul.u32 @!p0 $0xF7A, s2;
	p2 =	seq.s32 @!p0 s5, $0x0  }
0x1f: {  	s9 =	smul.u32 $0xF7A, s1;
	s8 =	simm.s32 @!p0 $0x1BF5;
	p2 =	por !p2, p0  }
0x20: {  	[sflag:s8] =	ssyncset.s32 @!p0 $0xFFFFF086;
	s6 =	sadd.s32 @!p0 s3, s7;
	s7 =	simm.s32 @!p0 $0x108  }
0x21: {  	s3 =	sadd.s32 s3, s9;
	s6 =	sadd.s32 @!p0 $0x88, s6;
	s7 =	simm.s32 @p2 $0x1082  }
0x22: {  	[simem:s7], [sflag:s8] =	dma.local @!p0 [hbm:s6], $0xF7A  }
0x23: {  	s9 =	sor.u32 $0xD0000000, s2;
	s6 =	simm.s32 $0x108;
	_ =	swait.ge @!p0 [sflag:s8], $0x0  }
0x24: {  	s3 =	sadd.s32 $0x88, s3;
	s6 =	simm.s32 @!p1 $0x1082;
	[sflag:s4] =	ssyncset.s32 $0xFFFFF086  }
0x25: {  	[simem:s6], [sflag:s4] =	dma.local [hbm:s3], $0xF7A  }
0x26: {  	[smem:$0x3F97] =	sst s1;
	(tag) =	ssettag s2;
	_ =	strace s9  }
0x27: {  	s1 =	sld [smem:$0x3FA7]  }
0x28: {  	s2 =	sld [smem:$0x3FA8]  }
0x29: {  	s4 =	sld [smem:$0x3FAA]  }
0x2a: {  	p0 =	seq.s32 s5, $0x0;
	s5 =	sld [smem:$0x3FAB]  }
0x2b: {  	s6 =	sld [smem:$0x3FAC]  }
0x2c: {  	s7 =	sld [smem:$0x3FAD]  }
0x2d: {  	s3 =	simm.s32 $0x108;
	s8 =	sld [smem:$0x3FAE]  }
0x2e: {  	s3 =	simm.s32 @!p0 $0x1082;
	s9 =	sld [smem:$0x3FAF]  }
0x2f: {  	lr =	sadd.s32 s0, s3;
	s0 =	sld [smem:$0x3FA6]  }
0x30: {  	s3 =	sld [smem:$0x3FA9]  }
0x31: {  	[smem:$0x3FB2] =	sst s10  }
0x32: {  	s10 =	sld [smem:$0x3FB0];
	_ =	sdelay $0x3  }
0x33: {  	p0 =	seq.s32 s10, $0x1;
	s10 =	sld [smem:$0x3FB2];
	_ =	sdelay $0x3  }
0x34: {  	[smem:$0x3FB2] =	sst s10  }
0x35: {  	s10 =	sld [smem:$0x3FB1];
	_ =	sdelay $0x3  }
0x36: {  	p1 =	seq.s32 s10, $0x1;
	s10 =	sld [smem:$0x3FB2];
	_ =	sdelay $0x3  }
0x37: {  	[smem:$0x3FB2] =	sst s10  }
0x38: {  	s10 =	sld [smem:$0x3FB3]  }
0x39: {  	_ = 	snop;
	(pc) =	sbr.ind lr, $3  }
0x3a: {  	_ = 	snop  }
0x3b: {  	_ = 	snop  }
0x3c: {  	p2 =	seq.s32 s10, $0x1;
	s10 =	sld [smem:$0x3FB2]  }
0x3d: {  	_ =	shalt  }
0x3e: {  	_ =	shalt  }
0x3f: {  	_ =	shalt  }
0x40: {  	_ =	shalt  }
0x41: {  	_ =	shalt  }
0x42: {  	_ =	shalt  }
0x43: {  	_ =	shalt  }
0x44: {  	_ =	shalt  }
0x45: {  	_ =	shalt  }
0x46: {  	_ =	shalt  }
0x47: {  	_ =	shalt  }
0x48: {  	_ =	shalt  }
0x49: {  	_ =	shalt  }
0x4a: {  	_ =	shalt  }
0x4b: {  	_ =	shalt  }
0x4c: {  	_ =	shalt  }
0x4d: {  	_ =	shalt  }
0x4e: {  	_ =	shalt  }
0x4f: {  	_ =	shalt  }
0x50: {  	_ =	shalt  }
0x51: {  	_ =	shalt  }
0x52: {  	_ =	shalt  }
0x53: {  	_ =	shalt  }
0x54: {  	_ =	shalt  }
0x55: {  	_ =	shalt  }
0x56: {  	_ =	shalt  }
0x57: {  	_ =	shalt  }
0x58: {  	_ =	shalt  }
0x59: {  	_ =	shalt  }
0x5a: {  	_ =	shalt  }
0x5b: {  	_ =	shalt  }
0x5c: {  	_ =	shalt  }
0x5d: {  	_ =	shalt  }
0x5e: {  	_ =	shalt  }
0x5f: {  	_ =	shalt  }
0x60: {  	_ =	shalt  }
0x61: {  	_ =	shalt  }
0x62: {  	_ =	shalt  }
0x63: {  	_ =	shalt  }
0x64: {  	_ =	shalt  }
0x65: {  	_ =	shalt  }
0x66: {  	_ =	shalt  }
0x67: {  	_ =	shalt  }
0x68: {  	_ =	shalt  }
0x69: {  	_ =	shalt  }
0x6a: {  	_ =	shalt  }
0x6b: {  	_ =	shalt  }
0x6c: {  	_ =	shalt  }
0x6d: {  	_ =	shalt  }
0x6e: {  	_ =	shalt  }
0x6f: {  	_ =	shalt  }
0x70: {  	_ =	shalt  }
0x71: {  	_ =	shalt  }
0x72: {  	_ =	shalt  }
0x73: {  	_ =	shalt  }
0x74: {  	_ =	shalt  }
0x75: {  	_ =	shalt  }
0x76: {  	_ =	shalt  }
0x77: {  	_ =	shalt  }
0x78: {  	_ =	shalt  }
0x79: {  	_ =	shalt  }
0x7a: {  	_ =	shalt  }
0x7b: {  	_ =	shalt  }
0x7c: {  	_ =	shalt  }
0x7d: {  	_ =	shalt  }
0x7e: {  	_ =	shalt  }
0x7f: {  	_ =	shalt  }
0x80: {  	_ =	shalt  }
0x81: {  	_ =	shalt  }
0x82: {  	_ =	shalt  }
0x83: {  	_ =	shalt  }
0x84: {  	_ =	shalt  }
0x85: {  	_ =	shalt  }
0x86: {  	_ =	shalt  }
0x87: {  	_ =	shalt  }
.Lfunc_end0:
.L_simem_size_0:
called_computation_lowered:
.L_overlay_start_0:
0x88: {  	s2 =	sld [smem:$0x3FD9]  }
0x89: {  	s3 =	sld [smem:$0x3FFE];
	_ =	sdelay $0x1  }
0x8a: {  	s1 =	srdreg.scid  }
0x8b: {  	s0 =	sand.u32 $0x1, s1  }
0x8c: {  	s17 =	sshll.u32 s0, $0xA;
	s2 =	sadd.s32 s3, s2  }
0x8d: {  	s2 =	sadd.s32 s2, s17  }
0x8e: {  	[smem:$0x3FBE] =	sst s2  }
0x8f: {  	_ = 	snop  }
0x90: {  	s2 =	sld [smem:$0x3FC7]  }
0x91: {  	s18 =	sld [smem:$0x3FC6];
	(tm) =	ssettm $0x1  }
0x92: {  	s4 =	sld [smem:$0x3FFB];
	_ =	sdelay $0x3  }
0x93: {  	_ =	strace s4  }
0x94: {  	s4 =	sld [smem:$0x3FFC];
	_ =	sdelay $0x3  }
0x95: {  	_ =	strace s4  }
0x96: {  	s4 =	sld [smem:$0x3FFD];
	_ =	sdelay $0x3  }
0x97: {  	_ =	strace s4  }
0x98: {  	_ =	strace $0x8FFFFFFF  }
0x99: {  	s19 =	sld [smem:$0x3FDB];
	_ =	sdelay $0x1  }
0x9a: {  	s5 =	simm.s32 $_scs_section_size  }
0x9b: {  	s6 =	simm.s32 $_size__tile_overlayer_lowered;
	s7 =	simm.s32 $_tile_overlayer_lowered  }
0x9c: {  	s22 =	simm.s32 $0x1BFF;
	s21 =	sshll.u32 s7, $0x1;
	s4 =	sadd.s32 s5, s19  }
0x9d: {  	s8 =	simm.s32 $0x0;
	s20 =	sshll.u32 s6, $0x1;
	s6 =	sadd.s32 s21, s4  }
0x9e: {  	[timem:s8], [sflag:s22] =	dma.local [hbm:s6], s20  }
0x9f: {  	_ =	swait.ge [sflag:s22], s20  }
0xa0: {  	s5 =	ssub.s32 $0x0, s20;
	[sflag:s22] =	ssyncset.done $0x0  }
0xa1: {  	[sflag:s22] =	ssyncadd.s32 s5;
	_ =	sdelay $0x1  }
0xa2: {  	s23 =	simm.s32 $0x1B8B  }
0xa3: {  	_ =	swait.ge [sflag:s23], $0x1  }
0xa4: {  	[sflag:s23] =	ssyncset.done $0x0  }
0xa5: {  	s25 =	simm.s32 $0x1B8E;
	s24 =	sld [smem:$0x3FFE];
	[sflag:s23] =	ssyncadd.s32 $0xFFFFFFFF  }
0xa6: {  	s26 =	simm.s32 $execute0_lowered;
	[smem:$0x3FD2] =	sst s25  }
0xa7: {  	s6 =	sshll.u32 s26, $0x1;
	_ =	strace $0x80000046;
	[dreg:$0x1] =	wrdreg $0xFFFFFFFF  }
0xa8: {  	s28 =	simm.s32 $_size_execute0_lowered;
	s4 =	sadd.s32 s4, s6;
	[dreg:$0x0] =	wrdreg $0x0  }
0xa9: {  	s6 =	sshll.u32 s28, $0x1;
	[dreg:$0x2] =	wrdreg s4  }
0xaa: {  	[dreg:$0x3] =	wrdreg s6  }
0xab: {  	[dreg:$0x4] =	wrdreg $0xC0  }
0xac: {  	_ =	task [dreg:s8], $0x5FFFF  }
0xad: {  	[dreg:$0x1] =	wrdreg $0xFFFFFFFF  }
0xae: {  	[dreg:$0x0] =	wrdreg $0x60  }
0xaf: {  	[dreg:$0x2] =	wrdreg s24  }
0xb0: {  	[dreg:$0x3] =	wrdreg s2  }
0xb1: {  	[dreg:$0x4] =	wrdreg s18  }
0xb2: {  	[dreg:$0x5] =	wrdreg $0x9  }
0xb3: {  	_ =	task.clear_ibuf [dreg:s8], $0x6FFFF;
	_ =	strace $0x90000046  }
0xb4: {  	s29 =	simm.s32 $0x9;
	_ =	strace $0x80000048  }
0xb5: {  	_ =	swait.ge [sflag:s29], $0x1  }
0xb6: {  	[sflag:s29] =	ssyncadd.s32 $0xFFFFFFFF  }
0xb7: {  	_ =	strace $0x90000048  }
0xb8: {  	_ =	sfence  }
0xb9: {  	s30 =	sld [smem:$0x0];
	_ =	sdelay $0x2  }
0xba: {  	s31 =	sshll.u32 s1, $0xD;
	s1 =	sshrl.u32 s1, $0x2  }
0xbb: {  	s3 =	sand.u32 $0x4000, s31;
	s1 =	sadd.s32 s1, s30  }
0xbc: {  	s0 =	sor.u32 s3, s0;
	s1 =	sshll.u32 s1, $0x11  }
0xbd: {  	s0 =	sor.u32 s1, s0  }
0xbe: {  	s0 =	sadd.s32 $0x8F2B, s0  }
0xbf: {  	[sflag:s0] =	ssyncadd.remote.s32 $0x1  }
0xc0: {  	_ =	sfence.sel $0xFFFF  }
0xc1: {  	[dreg:$0x0] =	wrdreg $0xFFFFFFFF;
	(pc) =	sbr.abs _section_cstart, $3  }
0xc2: {  	[dreg:$0x1] =	wrdreg $0xFFFFFFFF  }
0xc3: {  	_ =	task.clear_ibuf [dreg:s8], $0x2FFFF;
	_ =	strace $0x9FFFFFFF  }
0xc4: {  	(tm) =	ssettm $0x7FFFFFFF  }
0xc5: {  	_ =	shalt  }
tec
execute0_lowered:
.L_overlay_start_1:
0x0: {  	(tag) =	ssettag $0x1  }
0x1: {  	s1 =	srdreg.scid;
	s0 =	stileid.u32  }
0x2: {  	s12 =	rddreg [dreg:$0x0];
	s22 =	sand.u32 $0x1, s1;
	s30 =	sshll.u32 s0, $0x1  }
0x3: {  	s2 =	rddreg [dreg:$0x1];
	s13 =	sor.u32 s22, s30  }
0x4: {  	s3 =	rddreg [dreg:$0x2];
	s4 =	simm.s32 $0x0;
	s5 =	sshll.u32 s13, $0x5  }
0x5: {  	s6 =	simm.s32 $0x5;
	[smem:$0x7FF] =	sst s4;
	s7 =	sadd.s32 s5, s12  }
0x6: {  	s1 =	rddreg [dreg:$0x3];
	_ =	strace $0x80000047;
	s5 =	sadd.s32 $0x2200, s7  }
0x7: {  	[tilespmem:s4], [sflag:$0x5] =	stream.linear.gather [hbm4b:s5+s4], $0x100, $0x38;
	[tilespmem:$0x8200] =	vst v63  }
0x8: {  	_ =	swait.ge [sflag:s6], $0x100  }
0x9: {  	[sflag:s6] =	ssyncset.done $0x0  }
0xa: {  	s8 =	simm.s32 $0x100;
	s7 =	sadd.s32 $0x1E00, s7;
	[sflag:s6] =	ssyncadd.s32 $0xFFFFFF00  }
0xb: {  	[tilespmem:s8], [sflag:$0x5] =	stream.linear.gather [hbm4b:s7+s4], $0x100, $0x38;
	[tilespmem:$0x8200] =	vst v63  }
0xc: {  	_ =	swait.ge [sflag:s6], $0x100  }
0xd: {  	s9 =	simm.s32 $0x80;
	[sflag:s6] =	ssyncset.done $0x0  }
0xe: {  	s10 =	simm.s32 $0x200;
	s11 =	simm.s32 $0x1;
	[sflag:s6] =	ssyncadd.s32 $0xFFFFFF00  }
0xf: {  	[tilespmem:s10], [sflag:$0x1] =	stream.indirect.gather [hbm4b:s2+s9], $0x80, s4, s9, $0xb8;
	[tilespmem:$0x8200] =	vst v63  }
0x10: {  	_ =	swait.ge [sflag:s11], $0x4000  }
0x11: {  	s14 =	simm.s32 $0x400;
	s13 =	sshll.u32 s13, $0xD;
	[sflag:s11] =	ssyncset.done $0x0  }
0x12: {  	s23 =	sadd.s32 s13, s12;
	s13 =	simm.s32 $0x4200;
	[sflag:s11] =	ssyncadd.s32 $0xFFFFC000  }
0x13: {  	[tilespmem:s13], [sflag:$0x2] =	stream.indirect.gather [hbm4b:s2+s9], $0x80, s9, s9, $0xb8;
	[tilespmem:$0x8200] =	vst v63  }
0x14: {  	s15 =	simm.s32 $0x800;
	s16 =	simm.s32 $0x2;
	s12 =	sadd.s32 $0x2600, s23  }
0x15: {  	[hbm4b:s12+s14] =	stream.strided.scatter [tilespmem:s10], [sflag:$0x3], $0x4000, s15, s14, $0x38;
	[tilespmem:$0x8200] =	vst v63  }
0x16: {  	_ =	swait.ge [sflag:s16], $0x4000  }
0x17: {  	[sflag:s16] =	ssyncset.done $0x0  }
0x18: {  	s17 =	simm.s32 $0x3;
	[sflag:s16] =	ssyncadd.s32 $0xFFFFC000  }
0x19: {  	_ =	swait.ge [sflag:s17], $0x4000  }
0x1a: {  	[sflag:s17] =	ssyncset.done $0x0  }
0x1b: {  	[sflag:s17] =	ssyncadd.s32 $0xFFFFC000  }
0x1c: {  	[tilespmem:s10], [sflag:$0x1] =	stream.indirect.gather [hbm4b:s3+s9], $0x80, s8, s9, $0xb8;
	[tilespmem:$0x8200] =	vst v63  }
0x1d: {  	s18 =	sadd.s32 $0x3600, s23  }
0x1e: {  	[hbm4b:s18+s14] =	stream.strided.scatter [tilespmem:s13], [sflag:$0x4], $0x4000, s15, s14, $0x38;
	[tilespmem:$0x8200] =	vst v63  }
0x1f: {  	_ =	swait.ge [sflag:s11], $0x4000  }
0x20: {  	[sflag:s11] =	ssyncset.done $0x0  }
0x21: {  	s19 =	simm.s32 $0x4;
	[sflag:s11] =	ssyncadd.s32 $0xFFFFC000  }
0x22: {  	_ =	swait.ge [sflag:s19], $0x4000  }
0x23: {  	[sflag:s19] =	ssyncset.done $0x0  }
0x24: {  	s20 =	simm.s32 $0x180;
	s24 =	ssub.s32 $0x2, s22;
	[sflag:s19] =	ssyncadd.s32 $0xFFFFC000  }
0x25: {  	[tilespmem:s13], [sflag:$0x2] =	stream.indirect.gather [hbm4b:s3+s9], $0x80, s20, s9, $0xb8;
	[tilespmem:$0x8200] =	vst v63  }
0x26: {  	s31 =	sshrl.u32 s24, $0x1;
	s21 =	sadd.s32 $0x2680, s23  }
0x27: {  	[hbm4b:s21+s14] =	stream.strided.scatter [tilespmem:s10], [sflag:$0x3], $0x4000, s15, s14, $0x38;
	[tilespmem:$0x8200] =	vst v63  }
0x28: {  	s22 =	sadd.s32 $0x3680, s23;
	s23 =	ssub.s32 s24, s31;
	_ =	swait.ge [sflag:s16], $0x4000  }
0x29: {  	s23 =	smax.u32 s23, $0x1;
	[sflag:s16] =	ssyncset.done $0x0  }
0x2a: {  	p0 =	sne.s32 s23, $0x1;
	[sflag:s16] =	ssyncadd.s32 $0xFFFFC000  }
0x2b: {  	[hbm4b:s22+s14] =	stream.strided.scatter [tilespmem:s13], [sflag:$0x4], $0x4000, s15, s14, $0x38;
	[tilespmem:$0x8200] =	vst v63  }
.Ltmp0:
0x2c: {  	_ =	swait.ge [sflag:s17], $0x4000;
	(pc) =	sbr.rel @!p0 .LBB2_2-.Ltmp0, $4  }
0x2d: {  	[sflag:s17] =	ssyncset.done $0x0  }
0x2e: {  	[sflag:s17] =	ssyncadd.s32 $0xFFFFC000  }
0x2f: {  	_ =	swait.ge [sflag:s19], $0x4000  }
0x30: {  	s23 =	sadd.s32 $0xFFFFFFFF, s23;
	[sflag:s19] =	ssyncset.done $0x0  }
.LBB2_1:
0x31: {  	p0 =	sne.s32 s23, $0x1;
	s23 =	sadd.s32 $0xFFFFFFFF, s23;
	[sflag:s19] =	ssyncadd.s32 $0xFFFFC000  }
0x32: {  	[tilespmem:s4], [sflag:$0x5] =	stream.linear.gather [hbm4b:s5+s4], $0x100, $0x38;
	[tilespmem:$0x8200] =	vst v63  }
0x33: {  	_ =	swait.ge [sflag:s6], $0x100  }
0x34: {  	[sflag:s6] =	ssyncset.done $0x0  }
0x35: {  	[sflag:s6] =	ssyncadd.s32 $0xFFFFFF00  }
0x36: {  	[tilespmem:s8], [sflag:$0x5] =	stream.linear.gather [hbm4b:s7+s4], $0x100, $0x38;
	[tilespmem:$0x8200] =	vst v63  }
0x37: {  	_ =	swait.ge [sflag:s6], $0x100  }
0x38: {  	[sflag:s6] =	ssyncset.done $0x0  }
0x39: {  	[sflag:s6] =	ssyncadd.s32 $0xFFFFFF00  }
0x3a: {  	[tilespmem:s10], [sflag:$0x1] =	stream.indirect.gather [hbm4b:s2+s9], $0x80, s4, s9, $0xb8;
	[tilespmem:$0x8200] =	vst v63  }
0x3b: {  	_ =	swait.ge [sflag:s11], $0x4000  }
0x3c: {  	[sflag:s11] =	ssyncset.done $0x0  }
0x3d: {  	[sflag:s11] =	ssyncadd.s32 $0xFFFFC000  }
0x3e: {  	[tilespmem:s13], [sflag:$0x2] =	stream.indirect.gather [hbm4b:s2+s9], $0x80, s9, s9, $0xb8;
	[tilespmem:$0x8200] =	vst v63  }
0x3f: {  	_ = 	snop  }
0x40: {  	[hbm4b:s12+s14] =	stream.strided.scatter [tilespmem:s10], [sflag:$0x3], $0x4000, s15, s14, $0x38;
	[tilespmem:$0x8200] =	vst v63  }
0x41: {  	_ =	swait.ge [sflag:s16], $0x4000  }
0x42: {  	[sflag:s16] =	ssyncset.done $0x0  }
0x43: {  	[sflag:s16] =	ssyncadd.s32 $0xFFFFC000  }
0x44: {  	_ =	swait.ge [sflag:s17], $0x4000  }
0x45: {  	[sflag:s17] =	ssyncset.done $0x0  }
0x46: {  	[sflag:s17] =	ssyncadd.s32 $0xFFFFC000  }
0x47: {  	[tilespmem:s10], [sflag:$0x1] =	stream.indirect.gather [hbm4b:s3+s9], $0x80, s8, s9, $0xb8;
	[tilespmem:$0x8200] =	vst v63  }
0x48: {  	_ = 	snop  }
0x49: {  	[hbm4b:s18+s14] =	stream.strided.scatter [tilespmem:s13], [sflag:$0x4], $0x4000, s15, s14, $0x38;
	[tilespmem:$0x8200] =	vst v63  }
0x4a: {  	_ =	swait.ge [sflag:s11], $0x4000  }
0x4b: {  	[sflag:s11] =	ssyncset.done $0x0  }
0x4c: {  	[sflag:s11] =	ssyncadd.s32 $0xFFFFC000  }
0x4d: {  	_ =	swait.ge [sflag:s19], $0x4000  }
0x4e: {  	[sflag:s19] =	ssyncset.done $0x0  }
0x4f: {  	[sflag:s19] =	ssyncadd.s32 $0xFFFFC000  }
0x50: {  	[tilespmem:s13], [sflag:$0x2] =	stream.indirect.gather [hbm4b:s3+s9], $0x80, s20, s9, $0xb8;
	[tilespmem:$0x8200] =	vst v63  }
0x51: {  	_ = 	snop  }
0x52: {  	[hbm4b:s21+s14] =	stream.strided.scatter [tilespmem:s10], [sflag:$0x3], $0x4000, s15, s14, $0x38;
	[tilespmem:$0x8200] =	vst v63  }
0x53: {  	_ =	swait.ge [sflag:s16], $0x4000  }
0x54: {  	[sflag:s16] =	ssyncset.done $0x0  }
0x55: {  	[sflag:s16] =	ssyncadd.s32 $0xFFFFC000  }
0x56: {  	[hbm4b:s22+s14] =	stream.strided.scatter [tilespmem:s13], [sflag:$0x4], $0x4000, s15, s14, $0x38;
	[tilespmem:$0x8200] =	vst v63  }
.Ltmp1:
0x57: {  	_ =	swait.ge [sflag:s17], $0x4000;
	(pc) =	sbr.rel @p0 .LBB2_1-.Ltmp1, $4  }
0x58: {  	[sflag:s17] =	ssyncset.done $0x0  }
0x59: {  	[sflag:s17] =	ssyncadd.s32 $0xFFFFC000  }
0x5a: {  	_ =	swait.ge [sflag:s19], $0x4000  }
0x5b: {  	[sflag:s19] =	ssyncset.done $0x0  }
.LBB2_2:
0x5c: {  	[sflag:s19] =	ssyncadd.s32 $0xFFFFC000  }
0x5d: {  	_ =	sfence.sel $0x180000  }
0x5e: {  	[bflag:$0x0] =	sbarrier.arrive $0xFFFF  }
0x5f: {  	p0 =	sne.s32 s0, $0x0;
	_ =	strace $0x90000047  }
0x60: {  	s0 =	sadd.s32 @!p0 $0x100000, s1;
	[bflag:$0x2] =	sbarrier.arrive $0xFFFF  }
0x61: {  	[sflag:s0] =	ssyncadd.tile.s32 @!p0 $0x1;
	_ =	shalt  }
.Lfunc_end2:
_tile_overlayer_lowered:
.L_overlay_start_2:
0x62: {  	(tag) =	ssettag $0x2  }
0x63: {  	s0 =	rddreg [dreg:$0x0];
	s2 =	stileid.u32  }
0x64: {  	s1 =	rddreg [dreg:$0x1];
	p0 =	sne.s32 s2, $0x0  }
0x65: {  	s3 =	rddreg [dreg:$0x2];
	[bflag:$0x3] =	sbarrier.arrive $0xFFFF;
	s2 =	simm.s32 @!p0 $0x1C05  }
0x66: {  	[timem:s3], [sflag:s2] =	dma.local @!p0 [hbm:s0], s1  }
0x67: {  	s0 =	simm.s32 @!p0 $0x5  }
0x68: {  	_ =	swait.ge @!p0 [sflag:s0], s1  }
0x69: {  	s1 =	ssub.s32 @!p0 $0x0, s1;
	[sflag:s0] =	ssyncset.done @!p0 $0x0  }
0x6a: {  	[sflag:s0] =	ssyncadd.s32 @!p0 s1  }
0x6b: {  	[bflag:$0x3] =	sbarrier.arrive $0xFFFF  }
0x6c: {  	_ =	shalt  }

// kernel: kernel.9.cloned.1.call-start
scs
__scs_entry_jumppad:
0x0: {  	(pc) =	sbr.rel $0x88, $3  }
0x1: {  	(tag) =	ssettag $0x0;
	lr =	simm.s32 $0x1  }
0x2: {  	[smem:$0x3F97] =	sst lr;
	_ =	strace $0xD0000000  }
0x3: {  	_ = 	snop  }
0x4: {  	_ = 	snop  }
0x5: {  	_ = 	snop  }
0x6: {  	_ = 	snop  }
0x7: {  	_ = 	snop  }
__scs_overlays_trampoline_lowered:
0x8: {  	[smem:$0x3FA6] =	sst s0  }
0x9: {  	[smem:$0x3FA7] =	sst s1  }
0xa: {  	[smem:$0x3FA8] =	sst s2  }
0xb: {  	[smem:$0x3FA9] =	sst s3  }
0xc: {  	[smem:$0x3FAA] =	sst s4  }
0xd: {  	[smem:$0x3FAB] =	sst s5  }
0xe: {  	[smem:$0x3FAC] =	sst s6  }
0xf: {  	[smem:$0x3FAD] =	sst s7  }
0x10: {  	[smem:$0x3FAE] =	sst s8  }
0x11: {  	[smem:$0x3FAF] =	sst s9;
	s0 =	simm.s32 @!p0 $0x0  }
0x12: {  	s1 =	sld [smem:$0x3F95];
	s0 =	simm.s32 @p0 $0x1  }
0x13: {  	[smem:$0x3FB0] =	sst s0;
	s0 =	simm.s32 @!p1 $0x0  }
0x14: {  	s2 =	sld [smem:$0x3F94];
	s0 =	simm.s32 @p1 $0x1  }
0x15: {  	[smem:$0x3FB1] =	sst s0;
	s0 =	simm.s32 @!p2 $0x0  }
0x16: {  	s3 =	sld [smem:$0x3FDB];
	s0 =	simm.s32 @p2 $0x1  }
0x17: {  	s4 =	simm.s32 $0x1BF5;
	[smem:$0x3FB3] =	sst s0  }
0x18: {  	s0 =	sld [smem:$0x3F96];
	_ =	swait.ge [sflag:s4], $0x0  }
0x19: {  	s7 =	sld [smem:$0x3F97]  }
0x1a: {  	s8 =	sadd.s32 $0xFFFFE003, lr  }
0x1b: {  	s9 =	sadd.s32 $0xFFFFFEF7, lr;
	s5 =	simm.s32 $0xFFFFFFFF;
	p2 =	slt.u32 s8, $0xFFFFF086  }
0x1c: {  	p1 =	slt.u32 s9, $0xF7A;
	s5 =	simm.s32 @!p2 $0x0  }
0x1d: {  	s5 =	simm.s32 @p1 $0x1;
	p0 =	seq.s32 s7, s2  }
0x1e: {  	s7 =	smul.u32 @!p0 $0xF7A, s2;
	p2 =	seq.s32 @!p0 s5, $0x0  }
0x1f: {  	s9 =	smul.u32 $0xF7A, s1;
	s8 =	simm.s32 @!p0 $0x1BF5;
	p2 =	por !p2, p0  }
0x20: {  	[sflag:s8] =	ssyncset.s32 @!p0 $0xFFFFF086;
	s6 =	sadd.s32 @!p0 s3, s7;
	s7 =	simm.s32 @!p0 $0x108  }
0x21: {  	s3 =	sadd.s32 s3, s9;
	s6 =	sadd.s32 @!p0 $0x88, s6;
	s7 =	simm.s32 @p2 $0x1082  }
0x22: {  	[simem:s7], [sflag:s8] =	dma.local @!p0 [hbm:s6], $0xF7A  }
0x23: {  	s9 =	sor.u32 $0xD0000000, s2;
	s6 =	simm.s32 $0x108;
	_ =	swait.ge @!p0 [sflag:s8], $0x0  }
0x24: {  	s3 =	sadd.s32 $0x88, s3;
	s6 =	simm.s32 @!p1 $0x1082;
	[sflag:s4] =	ssyncset.s32 $0xFFFFF086  }
0x25: {  	[simem:s6], [sflag:s4] =	dma.local [hbm:s3], $0xF7A  }
0x26: {  	[smem:$0x3F97] =	sst s1;
	(tag) =	ssettag s2;
	_ =	strace s9  }
0x27: {  	s1 =	sld [smem:$0x3FA7]  }
0x28: {  	s2 =	sld [smem:$0x3FA8]  }
0x29: {  	s4 =	sld [smem:$0x3FAA]  }
0x2a: {  	p0 =	seq.s32 s5, $0x0;
	s5 =	sld [smem:$0x3FAB]  }
0x2b: {  	s6 =	sld [smem:$0x3FAC]  }
0x2c: {  	s7 =	sld [smem:$0x3FAD]  }
0x2d: {  	s3 =	simm.s32 $0x108;
	s8 =	sld [smem:$0x3FAE]  }
0x2e: {  	s3 =	simm.s32 @!p0 $0x1082;
	s9 =	sld [smem:$0x3FAF]  }
0x2f: {  	lr =	sadd.s32 s0, s3;
	s0 =	sld [smem:$0x3FA6]  }
0x30: {  	s3 =	sld [smem:$0x3FA9]  }
0x31: {  	[smem:$0x3FB2] =	sst s10  }
0x32: {  	s10 =	sld [smem:$0x3FB0];
	_ =	sdelay $0x3  }
0x33: {  	p0 =	seq.s32 s10, $0x1;
	s10 =	sld [smem:$0x3FB2];
	_ =	sdelay $0x3  }
0x34: {  	[smem:$0x3FB2] =	sst s10  }
0x35: {  	s10 =	sld [smem:$0x3FB1];
	_ =	sdelay $0x3  }
0x36: {  	p1 =	seq.s32 s10, $0x1;
	s10 =	sld [smem:$0x3FB2];
	_ =	sdelay $0x3  }
0x37: {  	[smem:$0x3FB2] =	sst s10  }
0x38: {  	s10 =	sld [smem:$0x3FB3]  }
0x39: {  	_ = 	snop;
	(pc) =	sbr.ind lr, $3  }
0x3a: {  	_ = 	snop  }
0x3b: {  	_ = 	snop  }
0x3c: {  	p2 =	seq.s32 s10, $0x1;
	s10 =	sld [smem:$0x3FB2]  }
0x3d: {  	_ =	shalt  }
0x3e: {  	_ =	shalt  }
0x3f: {  	_ =	shalt  }
0x40: {  	_ =	shalt  }
0x41: {  	_ =	shalt  }
0x42: {  	_ =	shalt  }
0x43: {  	_ =	shalt  }
0x44: {  	_ =	shalt  }
0x45: {  	_ =	shalt  }
0x46: {  	_ =	shalt  }
0x47: {  	_ =	shalt  }
0x48: {  	_ =	shalt  }
0x49: {  	_ =	shalt  }
0x4a: {  	_ =	shalt  }
0x4b: {  	_ =	shalt  }
0x4c: {  	_ =	shalt  }
0x4d: {  	_ =	shalt  }
0x4e: {  	_ =	shalt  }
0x4f: {  	_ =	shalt  }
0x50: {  	_ =	shalt  }
0x51: {  	_ =	shalt  }
0x52: {  	_ =	shalt  }
0x53: {  	_ =	shalt  }
0x54: {  	_ =	shalt  }
0x55: {  	_ =	shalt  }
0x56: {  	_ =	shalt  }
0x57: {  	_ =	shalt  }
0x58: {  	_ =	shalt  }
0x59: {  	_ =	shalt  }
0x5a: {  	_ =	shalt  }
0x5b: {  	_ =	shalt  }
0x5c: {  	_ =	shalt  }
0x5d: {  	_ =	shalt  }
0x5e: {  	_ =	shalt  }
0x5f: {  	_ =	shalt  }
0x60: {  	_ =	shalt  }
0x61: {  	_ =	shalt  }
0x62: {  	_ =	shalt  }
0x63: {  	_ =	shalt  }
0x64: {  	_ =	shalt  }
0x65: {  	_ =	shalt  }
0x66: {  	_ =	shalt  }
0x67: {  	_ =	shalt  }
0x68: {  	_ =	shalt  }
0x69: {  	_ =	shalt  }
0x6a: {  	_ =	shalt  }
0x6b: {  	_ =	shalt  }
0x6c: {  	_ =	shalt  }
0x6d: {  	_ =	shalt  }
0x6e: {  	_ =	shalt  }
0x6f: {  	_ =	shalt  }
0x70: {  	_ =	shalt  }
0x71: {  	_ =	shalt  }
0x72: {  	_ =	shalt  }
0x73: {  	_ =	shalt  }
0x74: {  	_ =	shalt  }
0x75: {  	_ =	shalt  }
0x76: {  	_ =	shalt  }
0x77: {  	_ =	shalt  }
0x78: {  	_ =	shalt  }
0x79: {  	_ =	shalt  }
0x7a: {  	_ =	shalt  }
0x7b: {  	_ =	shalt  }
0x7c: {  	_ =	shalt  }
0x7d: {  	_ =	shalt  }
0x7e: {  	_ =	shalt  }
0x7f: {  	_ =	shalt  }
0x80: {  	_ =	shalt  }
0x81: {  	_ =	shalt  }
0x82: {  	_ =	shalt  }
0x83: {  	_ =	shalt  }
0x84: {  	_ =	shalt  }
0x85: {  	_ =	shalt  }
0x86: {  	_ =	shalt  }
0x87: {  	_ =	shalt  }
.Lfunc_end0:
.L_simem_size_0:
called_computation.1_lowered:
.L_overlay_start_0:
0x88: {  	s2 =	sld [smem:$0x3FD9]  }
0x89: {  	s3 =	sld [smem:$0x3FFE];
	_ =	sdelay $0x1  }
0x8a: {  	s1 =	srdreg.scid  }
0x8b: {  	s0 =	sand.u32 $0x1, s1  }
0x8c: {  	s17 =	sshll.u32 s0, $0xA;
	s2 =	sadd.s32 s3, s2  }
0x8d: {  	s2 =	sadd.s32 s2, s17  }
0x8e: {  	[smem:$0x3FBE] =	sst s2  }
0x8f: {  	_ = 	snop  }
0x90: {  	s18 =	sld [smem:$0x3FC7]  }
0x91: {  	s4 =	sld [smem:$0x3FC6]  }
0x92: {  	s5 =	sld [smem:$0x3FD0];
	(tm) =	ssettm $0x1  }
0x93: {  	s19 =	sld [smem:$0x3FFB];
	_ =	sdelay $0x3  }
0x94: {  	_ =	strace s19  }
0x95: {  	s2 =	sld [smem:$0x3FFC];
	_ =	sdelay $0x3  }
0x96: {  	_ =	strace s2  }
0x97: {  	s2 =	sld [smem:$0x3FFD];
	_ =	sdelay $0x3  }
0x98: {  	_ =	strace s2  }
0x99: {  	_ =	strace $0x8FFFFFFF  }
0x9a: {  	s20 =	sld [smem:$0x3FDB];
	_ =	sdelay $0x1  }
0x9b: {  	s6 =	simm.s32 $_scs_section_size  }
0x9c: {  	s7 =	simm.s32 $_size__tile_overlayer_lowered;
	s8 =	simm.s32 $_tile_overlayer_lowered  }
0x9d: {  	s9 =	simm.s32 $0x1BFF;
	s21 =	sshll.u32 s8, $0x1;
	s6 =	sadd.s32 s6, s20  }
0x9e: {  	s22 =	simm.s32 $0x0;
	s7 =	sshll.u32 s7, $0x1;
	s8 =	sadd.s32 s21, s6  }
0x9f: {  	[timem:s22], [sflag:s9] =	dma.local [hbm:s8], s7  }
0xa0: {  	_ =	swait.ge [sflag:s9], s7  }
0xa1: {  	s7 =	ssub.s32 $0x0, s7;
	[sflag:s9] =	ssyncset.done $0x0  }
0xa2: {  	[sflag:s9] =	ssyncadd.s32 s7;
	_ =	sdelay $0x1  }
0xa3: {  	s23 =	simm.s32 $0x1B8B  }
0xa4: {  	_ =	swait.ge [sflag:s23], $0x1  }
0xa5: {  	[sflag:s23] =	ssyncset.done $0x0  }
0xa6: {  	[sflag:s23] =	ssyncadd.s32 $0xFFFFFFFF  }
0xa7: {  	s7 =	sld [smem:$0x0]  }
0xa8: {  	s8 =	sand.u32 $0xFFFFFFFE, s1  }
0xa9: {  	p0 =	sne.s32 s1, s8  }
0xaa: {  	s8 =	sshll.u32 @p0 s8, $0xE  }
0xab: {  	s8 =	sadd.s32 @p0 $0x11B8D, s8;
	s9 =	sshll.u32 @p0 s7, $0x11  }
0xac: {  	s8 =	sor.u32 @p0 s9, s8  }
0xad: {  	[sflag:s8] =	ssyncadd.remote.s32 @p0 $0x1;
	_ =	sdelay $0x1  }
0xae: {  	s8 =	simm.s32 @p0 $0x1B8D  }
0xaf: {  	_ =	swait.eq @p0 [sflag:s8], $0x1  }
0xb0: {  	[sflag:s8] =	ssyncadd.s32 @p0 $0xFFFFFFFF  }
0xb1: {  	s9 =	sshll.u32 @!p0 s1, $0xE  }
0xb2: {  	s9 =	sor.u32 @!p0 $0x4000, s9;
	s8 =	simm.s32 @!p0 $0x1B8D  }
0xb3: {  	s7 =	sshll.u32 @!p0 s7, $0x11;
	s9 =	sadd.s32 @!p0 $0x11B8D, s9;
	_ =	swait.eq @!p0 [sflag:s8], $0x1  }
0xb4: {  	s7 =	sor.u32 @!p0 s7, s9;
	[sflag:s8] =	ssyncadd.s32 @!p0 $0xFFFFFFFF  }
0xb5: {  	s25 =	simm.s32 $0x1B8E;
	s24 =	sld [smem:$0x3FFE];
	[sflag:s7] =	ssyncadd.remote.s32 @!p0 $0x1  }
0xb6: {  	s26 =	simm.s32 $execute0_lowered;
	[smem:$0x3FD2] =	sst s25  }
0xb7: {  	s8 =	sshll.u32 s26, $0x1;
	_ =	strace $0x80000049;
	[dreg:$0x1] =	wrdreg $0xFFFFFFFF  }
0xb8: {  	s28 =	simm.s32 $_size_execute0_lowered;
	s6 =	sadd.s32 s6, s8;
	[dreg:$0x0] =	wrdreg $0x0  }
0xb9: {  	s8 =	sshll.u32 s28, $0x1;
	[dreg:$0x2] =	wrdreg s6  }
0xba: {  	[dreg:$0x3] =	wrdreg s8  }
0xbb: {  	[dreg:$0x4] =	wrdreg $0xC0  }
0xbc: {  	_ =	task [dreg:s22], $0x5FFFF  }
0xbd: {  	[dreg:$0x1] =	wrdreg $0xFFFFFFFF  }
0xbe: {  	[dreg:$0x0] =	wrdreg $0x60  }
0xbf: {  	[dreg:$0x2] =	wrdreg s24  }
0xc0: {  	[dreg:$0x3] =	wrdreg s5  }
0xc1: {  	[dreg:$0x4] =	wrdreg s18  }
0xc2: {  	[dreg:$0x5] =	wrdreg s4  }
0xc3: {  	[dreg:$0x6] =	wrdreg $0xA  }
0xc4: {  	_ =	task.clear_ibuf [dreg:s22], $0x7FFFF;
	_ =	strace $0x90000049  }
0xc5: {  	s29 =	simm.s32 $0xA;
	_ =	strace $0x8000004B  }
0xc6: {  	_ =	swait.ge [sflag:s29], $0x1  }
0xc7: {  	[sflag:s29] =	ssyncadd.s32 $0xFFFFFFFF  }
0xc8: {  	_ =	strace $0x9000004B  }
0xc9: {  	_ =	sfence  }
0xca: {  	s30 =	sld [smem:$0x0];
	_ =	sdelay $0x2  }
0xcb: {  	s31 =	sshll.u32 s1, $0xD;
	s1 =	sshrl.u32 s1, $0x2  }
0xcc: {  	s4 =	sand.u32 $0x4000, s31;
	s1 =	sadd.s32 s1, s30  }
0xcd: {  	s0 =	sor.u32 s4, s0;
	s1 =	sshll.u32 s1, $0x11  }
0xce: {  	s0 =	sor.u32 s1, s0  }
0xcf: {  	s0 =	sadd.s32 $0x8F2B, s0  }
0xd0: {  	[sflag:s0] =	ssyncadd.remote.s32 $0x1  }
0xd1: {  	_ =	sfence.sel $0xFFFF  }
0xd2: {  	[dreg:$0x0] =	wrdreg $0xFFFFFFFF;
	(pc) =	sbr.abs _section_cstart, $3  }
0xd3: {  	[dreg:$0x1] =	wrdreg $0xFFFFFFFF  }
0xd4: {  	_ =	task.clear_ibuf [dreg:s22], $0x2FFFF;
	_ =	strace $0x9FFFFFFF  }
0xd5: {  	(tm) =	ssettm $0x7FFFFFFF  }
tec
execute0_lowered:
.L_overlay_start_1:
0x0: {  	(tag) =	ssettag $0x1  }
0x1: {  	s12 =	rddreg [dreg:$0x0]  }
0x2: {  	s1 =	srdreg.scid;
	s0 =	stileid.u32  }
0x3: {  	s7 =	rddreg [dreg:$0x1];
	s22 =	sand.u32 $0x1, s1;
	s30 =	sshll.u32 s0, $0x1  }
0x4: {  	s2 =	rddreg [dreg:$0x2];
	s13 =	sor.u32 s22, s30  }
0x5: {  	s3 =	rddreg [dreg:$0x3];
	s4 =	simm.s32 $0x0;
	s8 =	sshll.u32 s13, $0x5  }
0x6: {  	s6 =	simm.s32 $0x5;
	[smem:$0x7FF] =	sst s4;
	s5 =	sadd.s32 s8, s12  }
0x7: {  	s1 =	rddreg [dreg:$0x4];
	_ =	strace $0x8000004A;
	s5 =	sadd.s32 $0x42600, s5  }
0x8: {  	[tilespmem:s4], [sflag:$0x5] =	stream.linear.gather [hbm4b:s5+s4], $0x100, $0x38;
	[tilespmem:$0x8200] =	vst v63  }
0x9: {  	_ =	swait.ge [sflag:s6], $0x100  }
0xa: {  	[sflag:s6] =	ssyncset.done $0x0  }
0xb: {  	s7 =	sadd.s32 s7, s8;
	s8 =	simm.s32 $0x100;
	[sflag:s6] =	ssyncadd.s32 $0xFFFFFF00  }
0xc: {  	[tilespmem:s8], [sflag:$0x5] =	stream.linear.gather [hbm4b:s7+s4], $0x100, $0x38;
	[tilespmem:$0x8200] =	vst v63  }
0xd: {  	_ =	swait.ge [sflag:s6], $0x100  }
0xe: {  	s9 =	simm.s32 $0x80;
	[sflag:s6] =	ssyncset.done $0x0  }
0xf: {  	s10 =	simm.s32 $0x200;
	s11 =	simm.s32 $0x1;
	[sflag:s6] =	ssyncadd.s32 $0xFFFFFF00  }
0x10: {  	[tilespmem:s10], [sflag:$0x1] =	stream.indirect.gather [hbm4b:s2+s9], $0x80, s4, s9, $0xb8;
	[tilespmem:$0x8200] =	vst v63  }
0x11: {  	_ =	swait.ge [sflag:s11], $0x4000  }
0x12: {  	s14 =	simm.s32 $0x400;
	s13 =	sshll.u32 s13, $0xD;
	[sflag:s11] =	ssyncset.done $0x0  }
0x13: {  	s23 =	sadd.s32 s13, s12;
	s13 =	simm.s32 $0x4200;
	[sflag:s11] =	ssyncadd.s32 $0xFFFFC000  }
0x14: {  	[tilespmem:s13], [sflag:$0x2] =	stream.indirect.gather [hbm4b:s2+s9], $0x80, s9, s9, $0xb8;
	[tilespmem:$0x8200] =	vst v63  }
0x15: {  	s15 =	simm.s32 $0x800;
	s16 =	simm.s32 $0x2;
	s12 =	sadd.s32 $0x42A00, s23  }
0x16: {  	[hbm4b:s12+s14] =	stream.strided.scatter [tilespmem:s10], [sflag:$0x3], $0x4000, s15, s14, $0x38;
	[tilespmem:$0x8200] =	vst v63  }
0x17: {  	_ =	swait.ge [sflag:s16], $0x4000  }
0x18: {  	[sflag:s16] =	ssyncset.done $0x0  }
0x19: {  	s17 =	simm.s32 $0x3;
	[sflag:s16] =	ssyncadd.s32 $0xFFFFC000  }
0x1a: {  	_ =	swait.ge [sflag:s17], $0x4000  }
0x1b: {  	[sflag:s17] =	ssyncset.done $0x0  }
0x1c: {  	[sflag:s17] =	ssyncadd.s32 $0xFFFFC000  }
0x1d: {  	[tilespmem:s10], [sflag:$0x1] =	stream.indirect.gather [hbm4b:s3+s9], $0x80, s8, s9, $0xb8;
	[tilespmem:$0x8200] =	vst v63  }
0x1e: {  	s18 =	sadd.s32 $0x43A00, s23  }
0x1f: {  	[hbm4b:s18+s14] =	stream.strided.scatter [tilespmem:s13], [sflag:$0x4], $0x4000, s15, s14, $0x38;
	[tilespmem:$0x8200] =	vst v63  }
0x20: {  	_ =	swait.ge [sflag:s11], $0x4000  }
0x21: {  	[sflag:s11] =	ssyncset.done $0x0  }
0x22: {  	s19 =	simm.s32 $0x4;
	[sflag:s11] =	ssyncadd.s32 $0xFFFFC000  }
0x23: {  	_ =	swait.ge [sflag:s19], $0x4000  }
0x24: {  	[sflag:s19] =	ssyncset.done $0x0  }
0x25: {  	s20 =	simm.s32 $0x180;
	s24 =	ssub.s32 $0x2, s22;
	[sflag:s19] =	ssyncadd.s32 $0xFFFFC000  }
0x26: {  	[tilespmem:s13], [sflag:$0x2] =	stream.indirect.gather [hbm4b:s3+s9], $0x80, s20, s9, $0xb8;
	[tilespmem:$0x8200] =	vst v63  }
0x27: {  	s31 =	sshrl.u32 s24, $0x1;
	s21 =	sadd.s32 $0x42A80, s23  }
0x28: {  	[hbm4b:s21+s14] =	stream.strided.scatter [tilespmem:s10], [sflag:$0x3], $0x4000, s15, s14, $0x38;
	[tilespmem:$0x8200] =	vst v63  }
0x29: {  	s22 =	sadd.s32 $0x43A80, s23;
	s23 =	ssub.s32 s24, s31;
	_ =	swait.ge [sflag:s16], $0x4000  }
0x2a: {  	s23 =	smax.u32 s23, $0x1;
	[sflag:s16] =	ssyncset.done $0x0  }
0x2b: {  	p0 =	sne.s32 s23, $0x1;
	[sflag:s16] =	ssyncadd.s32 $0xFFFFC000  }
0x2c: {  	[hbm4b:s22+s14] =	stream.strided.scatter [tilespmem:s13], [sflag:$0x4], $0x4000, s15, s14, $0x38;
	[tilespmem:$0x8200] =	vst v63  }
.Ltmp0:
0x2d: {  	_ =	swait.ge [sflag:s17], $0x4000;
	(pc) =	sbr.rel @!p0 .LBB2_2-.Ltmp0, $4  }
0x2e: {  	[sflag:s17] =	ssyncset.done $0x0  }
0x2f: {  	[sflag:s17] =	ssyncadd.s32 $0xFFFFC000  }
0x30: {  	_ =	swait.ge [sflag:s19], $0x4000  }
0x31: {  	s23 =	sadd.s32 $0xFFFFFFFF, s23;
	[sflag:s19] =	ssyncset.done $0x0  }
.LBB2_1:
0x32: {  	p0 =	sne.s32 s23, $0x1;
	s23 =	sadd.s32 $0xFFFFFFFF, s23;
	[sflag:s19] =	ssyncadd.s32 $0xFFFFC000  }
0x33: {  	[tilespmem:s4], [sflag:$0x5] =	stream.linear.gather [hbm4b:s5+s4], $0x100, $0x38;
	[tilespmem:$0x8200] =	vst v63  }
0x34: {  	_ =	swait.ge [sflag:s6], $0x100  }
0x35: {  	[sflag:s6] =	ssyncset.done $0x0  }
0x36: {  	[sflag:s6] =	ssyncadd.s32 $0xFFFFFF00  }
0x37: {  	[tilespmem:s8], [sflag:$0x5] =	stream.linear.gather [hbm4b:s7+s4], $0x100, $0x38;
	[tilespmem:$0x8200] =	vst v63  }
0x38: {  	_ =	swait.ge [sflag:s6], $0x100  }
0x39: {  	[sflag:s6] =	ssyncset.done $0x0  }
0x3a: {  	[sflag:s6] =	ssyncadd.s32 $0xFFFFFF00  }
0x3b: {  	[tilespmem:s10], [sflag:$0x1] =	stream.indirect.gather [hbm4b:s2+s9], $0x80, s4, s9, $0xb8;
	[tilespmem:$0x8200] =	vst v63  }
0x3c: {  	_ =	swait.ge [sflag:s11], $0x4000  }
0x3d: {  	[sflag:s11] =	ssyncset.done $0x0  }
0x3e: {  	[sflag:s11] =	ssyncadd.s32 $0xFFFFC000  }
0x3f: {  	[tilespmem:s13], [sflag:$0x2] =	stream.indirect.gather [hbm4b:s2+s9], $0x80, s9, s9, $0xb8;
	[tilespmem:$0x8200] =	vst v63  }
0x40: {  	_ = 	snop  }
0x41: {  	[hbm4b:s12+s14] =	stream.strided.scatter [tilespmem:s10], [sflag:$0x3], $0x4000, s15, s14, $0x38;
	[tilespmem:$0x8200] =	vst v63  }
0x42: {  	_ =	swait.ge [sflag:s16], $0x4000  }
0x43: {  	[sflag:s16] =	ssyncset.done $0x0  }
0x44: {  	[sflag:s16] =	ssyncadd.s32 $0xFFFFC000  }
0x45: {  	_ =	swait.ge [sflag:s17], $0x4000  }
0x46: {  	[sflag:s17] =	ssyncset.done $0x0  }
0x47: {  	[sflag:s17] =	ssyncadd.s32 $0xFFFFC000  }
0x48: {  	[tilespmem:s10], [sflag:$0x1] =	stream.indirect.gather [hbm4b:s3+s9], $0x80, s8, s9, $0xb8;
	[tilespmem:$0x8200] =	vst v63  }
0x49: {  	_ = 	snop  }
0x4a: {  	[hbm4b:s18+s14] =	stream.strided.scatter [tilespmem:s13], [sflag:$0x4], $0x4000, s15, s14, $0x38;
	[tilespmem:$0x8200] =	vst v63  }
0x4b: {  	_ =	swait.ge [sflag:s11], $0x4000  }
0x4c: {  	[sflag:s11] =	ssyncset.done $0x0  }
0x4d: {  	[sflag:s11] =	ssyncadd.s32 $0xFFFFC000  }
0x4e: {  	_ =	swait.ge [sflag:s19], $0x4000  }
0x4f: {  	[sflag:s19] =	ssyncset.done $0x0  }
0x50: {  	[sflag:s19] =	ssyncadd.s32 $0xFFFFC000  }
0x51: {  	[tilespmem:s13], [sflag:$0x2] =	stream.indirect.gather [hbm4b:s3+s9], $0x80, s20, s9, $0xb8;
	[tilespmem:$0x8200] =	vst v63  }
0x52: {  	_ = 	snop  }
0x53: {  	[hbm4b:s21+s14] =	stream.strided.scatter [tilespmem:s10], [sflag:$0x3], $0x4000, s15, s14, $0x38;
	[tilespmem:$0x8200] =	vst v63  }
0x54: {  	_ =	swait.ge [sflag:s16], $0x4000  }
0x55: {  	[sflag:s16] =	ssyncset.done $0x0  }
0x56: {  	[sflag:s16] =	ssyncadd.s32 $0xFFFFC000  }
0x57: {  	[hbm4b:s22+s14] =	stream.strided.scatter [tilespmem:s13], [sflag:$0x4], $0x4000, s15, s14, $0x38;
	[tilespmem:$0x8200] =	vst v63  }
.Ltmp1:
0x58: {  	_ =	swait.ge [sflag:s17], $0x4000;
	(pc) =	sbr.rel @p0 .LBB2_1-.Ltmp1, $4  }
0x59: {  	[sflag:s17] =	ssyncset.done $0x0  }
0x5a: {  	[sflag:s17] =	ssyncadd.s32 $0xFFFFC000  }
0x5b: {  	_ =	swait.ge [sflag:s19], $0x4000  }
0x5c: {  	[sflag:s19] =	ssyncset.done $0x0  }
.LBB2_2:
0x5d: {  	[sflag:s19] =	ssyncadd.s32 $0xFFFFC000  }
0x5e: {  	_ =	sfence.sel $0x180000  }
0x5f: {  	[bflag:$0x0] =	sbarrier.arrive $0xFFFF  }
0x60: {  	p0 =	sne.s32 s0, $0x0;
	_ =	strace $0x9000004A  }
0x61: {  	s0 =	sadd.s32 @!p0 $0x100000, s1;
	[bflag:$0x2] =	sbarrier.arrive $0xFFFF  }
0x62: {  	[sflag:s0] =	ssyncadd.tile.s32 @!p0 $0x1;
	_ =	shalt  }
.Lfunc_end2:
_tile_overlayer_lowered:
.L_overlay_start_2:
0x63: {  	(tag) =	ssettag $0x2  }
0x64: {  	s0 =	rddreg [dreg:$0x0];
	s2 =	stileid.u32  }
0x65: {  	s1 =	rddreg [dreg:$0x1];
	p0 =	sne.s32 s2, $0x0  }
0x66: {  	s3 =	rddreg [dreg:$0x2];
	[bflag:$0x3] =	sbarrier.arrive $0xFFFF;
	s2 =	simm.s32 @!p0 $0x1C05  }
0x67: {  	[timem:s3], [sflag:s2] =	dma.local @!p0 [hbm:s0], s1  }
0x68: {  	s0 =	simm.s32 @!p0 $0x5  }
0x69: {  	_ =	swait.ge @!p0 [sflag:s0], s1  }
0x6a: {  	s1 =	ssub.s32 @!p0 $0x0, s1;
	[sflag:s0] =	ssyncset.done @!p0 $0x0  }
0x6b: {  	[sflag:s0] =	ssyncadd.s32 @!p0 s1  }
0x6c: {  	[bflag:$0x3] =	sbarrier.arrive $0xFFFF  }
0x6d: {  	_ =	shalt  }

</sc_bundles>
